<compile_context>
chip_gen: v7x
topology: tpu7x:2x2x1
jax: 0.10.2.dev20260603
libtpu: 0.0.44.dev20260713+nightly
codegen_flags: <defaults>
</compile_context>

<pallas_src>
import functools

import jax
import jax.numpy as jnp
from jax import lax
from jax.experimental import pallas as pl
from jax.experimental.pallas import tpu as pltpu
from jax.experimental.pallas import tpu_sc as plsc

N = 16384
D = 256
K = 1024
BN = 4096
GRID = N // BN



def _dist_argmin_kernel(f_ref, c_ref, cn_ref, col_ref, lab_ref):
    f = f_ref[...]
    f2 = f * -2.0
    c = c_ref[...]
    mm2 = lax.dot_general(f2, c, (((1,), (1,)), ((), ())),
                          preferred_element_type=jnp.float32)
    fn = jnp.sum(f * f, axis=1, keepdims=True)
    cn = cn_ref[...].reshape(1, K)
    s = (fn + cn) + mm2
    xm = jnp.min(s, axis=1, keepdims=True)
    m = jnp.sqrt(jnp.maximum(xm, 0.0))
    mi = lax.bitcast_convert_type(m, jnp.int32)
    nm = lax.bitcast_convert_type(mi + 1, jnp.float32)
    p = m * nm
    pi = lax.bitcast_convert_type(p, jnp.int32)
    lo = lax.bitcast_convert_type(pi - 1, jnp.float32)
    hi = lax.bitcast_convert_type(pi + 1, jnp.float32)
    b = jnp.where(jnp.sqrt(hi) == m, hi,
                  jnp.where(jnp.sqrt(p) == m, p,
                            jnp.where(jnp.sqrt(lo) == m, lo, xm)))
    b = jnp.where(m > 0.0, b, 0.0)
    colf = col_ref[...]
    labf = jnp.min(jnp.where(s <= b, colf, float(K)), axis=1)
    lab_ref[...] = labf.astype(jnp.int32).reshape(1, 1, BN)


def _compute_labels(f2d, centroids, cn):
    nrows = f2d.shape[0]
    grid = nrows // BN
    labs = pl.pallas_call(
        _dist_argmin_kernel,
        grid=(grid,),
        in_specs=[
            pl.BlockSpec((BN, D), lambda i: (i, 0)),
            pl.BlockSpec((K, D), lambda i: (0, 0)),
            pl.BlockSpec((1, K), lambda i: (0, 0)),
            pl.BlockSpec((1, K), lambda i: (0, 0)),
        ],
        out_specs=pl.BlockSpec((1, 1, BN), lambda i: (i, 0, 0)),
        out_shape=jax.ShapeDtypeStruct((grid, 1, BN), jnp.int32),
    )(f2d, centroids, cn.reshape(1, K),
      jnp.arange(K, dtype=jnp.float32).reshape(1, K))
    return labs.reshape(nrows)



_NC, _NS = 2, 16
_NW = _NC * _NS
_BPW = N // _NW
_CH = 128
_NB = 3

def _make_sc_gather_body(nrows):
    nch = nrows // _NW // _CH

    nb = min(_NB, nch)

    def body(table_hbm, idx_hbm, out_hbm, idx_v, *scr):
        wid = lax.axis_index("s") * _NC + lax.axis_index("c")
        base = wid * (nrows // _NW)
        pltpu.sync_copy(idx_hbm.at[pl.ds(wid * nch, nch)], idx_v)
        bufs = scr[:nb]
        gsems = scr[nb:2 * nb]
        osems = scr[2 * nb:3 * nb]
        gcp = [None] * nch
        ocp = [None] * nch
        for j in range(nch):
            b = j % nb
            if j >= nb:
                ocp[j - nb].wait()
            gcp[j] = pltpu.async_copy(table_hbm.at[idx_v.at[j]], bufs[b],
                                      gsems[b])
            if j >= 1:
                gcp[j - 1].wait()
                ocp[j - 1] = pltpu.async_copy(
                    bufs[(j - 1) % nb],
                    out_hbm.at[pl.ds(base + (j - 1) * _CH, _CH)],
                    osems[(j - 1) % nb])
        gcp[nch - 1].wait()
        ocp[nch - 1] = pltpu.async_copy(
            bufs[(nch - 1) % nb],
            out_hbm.at[pl.ds(base + (nch - 1) * _CH, _CH)],
            osems[(nch - 1) % nb])
        for j in range(max(0, nch - nb), nch):
            ocp[j].wait()

    return body


@functools.cache
def _sc_gather(nrows):
    mesh = plsc.VectorSubcoreMesh(core_axis_name="c", subcore_axis_name="s",
                                  num_cores=_NC, num_subcores=_NS)
    nch = nrows // _NW // _CH
    nb = min(_NB, nch)
    return pl.kernel(
        _make_sc_gather_body(nrows),
        out_type=jax.ShapeDtypeStruct((nrows, D), jnp.float32),
        mesh=mesh,
        scratch_types=(
            [pltpu.VMEM((nch, _CH), jnp.int32)]
            + [pltpu.VMEM((_CH, D), jnp.float32) for _ in range(nb)]
            + [pltpu.SemaphoreType.DMA for _ in range(2 * nb)]
        ),
    )




NSPLIT = 1


def kernel(feats, centroids):
    batch_shape = feats.shape[:-1]
    f2d = feats.reshape(-1, D)
    cn = jnp.sum(centroids ** 2, axis=-1)
    ns = N // NSPLIT
    labels = []
    assigned = []
    for i in range(NSPLIT):
        labels.append(_compute_labels(f2d[i * ns:(i + 1) * ns], centroids, cn))
    for i in range(NSPLIT):
        assigned.append(
            _sc_gather(ns)(centroids, labels[i].reshape(ns // _CH, _CH)))
    if NSPLIT == 1:
        return (labels[0].reshape(batch_shape),
                assigned[0].reshape(*batch_shape, D))
    labels = jnp.concatenate(labels).reshape(batch_shape)
    assigned = jnp.concatenate(assigned).reshape(*batch_shape, D)
    return labels, assigned

# --- scband reference (transcript-rebuilt; emitter-appended) ---
"""Pipeline reference for scband-kmeans-quantizer-52922587021810 (READ-ONLY COPY).

The authoritative reference and input builder live on the scoring server;
editing this copy changes nothing except your own understanding.
"""

import jax, jax.numpy as jnp
import numpy as np

NUM_FEATURES = 256
NUM_CLUSTERS = 1024


def setup_inputs(seed: int = 0) -> dict:
    key = jax.random.key(seed)
    k1, k2 = jax.random.split(key)
    feats = jax.random.normal(k1, (16, 1024, NUM_FEATURES), dtype=jnp.float32)
    # centroids buffer, assumed already initialized (non-inf) as in steady-state inference
    centroids = jax.random.normal(k2, (NUM_CLUSTERS, NUM_FEATURES), dtype=jnp.float32)
    return {"feats": feats, "centroids": centroids}


def _compute_pairwise_distance(feats, centroids):
    feats_norm = jnp.sum(feats ** 2, axis=-1)[:, None]
    centroids_norm = jnp.sum(centroids ** 2, axis=-1)[None, :]
    dist = jnp.sqrt(jnp.clip(feats_norm + centroids_norm - 2.0 * (feats @ centroids.T), 0.0, None))
    return dist


def reference(feats, centroids):
    # KMeansQuantizer.forward with return_centroids=True, normalize=None
    batch_shape = feats.shape[:-1]
    f = feats.reshape(-1, NUM_FEATURES)
    dist = _compute_pairwise_distance(f, centroids)
    labels = jnp.argmin(dist, axis=-1)
    assigned_centroids = jnp.take(centroids, labels, axis=0)
    labels = labels.reshape(batch_shape)
    assigned_centroids = assigned_centroids.reshape(*batch_shape, NUM_FEATURES)
    return labels, assigned_centroids

if __name__ == "__main__":
    import jax
    _d = setup_inputs()
    print(jax.jit(kernel)(*tuple(_d.values())))

</pallas_src>

<mosaic_0001>
#map = affine_map<(d0, d1) -> (0, 0)>
module attributes {stable_mosaic.version = 14 : i64} {
  func.func @body(%arg0: i32, %arg1: i32, %arg2: memref<1024x256xf32, #tpu.memory_space<hbm>>, %arg3: memref<128x128xi32, #tpu.memory_space<hbm>>, %arg4: memref<16384x256xf32, #tpu.memory_space<hbm>>, %arg5: memref<4x128xi32, #tpu.memory_space<vmem>>, %arg6: memref<128x256xf32, #tpu.memory_space<vmem>>, %arg7: memref<128x256xf32, #tpu.memory_space<vmem>>, %arg8: memref<128x256xf32, #tpu.memory_space<vmem>>, %arg9: memref<!tpu.dma_semaphore, #tpu.memory_space<semaphore_mem>>, %arg10: memref<!tpu.dma_semaphore, #tpu.memory_space<semaphore_mem>>, %arg11: memref<!tpu.dma_semaphore, #tpu.memory_space<semaphore_mem>>, %arg12: memref<!tpu.dma_semaphore, #tpu.memory_space<semaphore_mem>>, %arg13: memref<!tpu.dma_semaphore, #tpu.memory_space<semaphore_mem>>, %arg14: memref<!tpu.dma_semaphore, #tpu.memory_space<semaphore_mem>>) attributes {dimension_semantics = [#tpu.dimension_semantics<core_parallel>, #tpu.dimension_semantics<subcore_parallel>], iteration_bounds = array<i64: 2, 16>, scalar_prefetch = 0 : i64, scratch_operands = 10 : i64, tpu.core_type = #tpu.core_type<sc_vector_subcore>, window_params = [{transform_indices = #map}, {transform_indices = #map}, {transform_indices = #map}]} {
    %mul3A = arith.constant 2 : i32
    %mul3A_0 = arith.muli %arg1, %mul3A : i32
    %add3A = arith.addi %mul3A_0, %arg0 : i32
    %mul3A_1 = arith.constant 512 : i32
    %mul3A_2 = arith.muli %add3A, %mul3A_1 : i32
    %mul3A_3 = arith.constant 4 : i32
    %mul3A_4 = arith.muli %add3A, %mul3A_3 : i32
    "tpu.region"() ({
      %run_scoped3A = tpu.sem_alloc : memref<!tpu.dma_semaphore, #tpu.memory_space<semaphore_mem>>
      %dma_start3A_99 = arith.constant 0 : i32
      %dma_start3A_100 = tpu.memref_slice %arg3[%mul3A_4, %dma_start3A_99] : memref<128x128xi32, #tpu.memory_space<hbm>> -> memref<4x128xi32, #tpu.memory_space<hbm>>
      %dma_start3A_101 = arith.constant 0 : i32
      %dma_start3A_102 = tpu.memref_slice %arg3[%mul3A_4, %dma_start3A_101] : memref<128x128xi32, #tpu.memory_space<hbm>> -> memref<4x128xi32, #tpu.memory_space<hbm>>
      tpu.enqueue_dma source(%dma_start3A_102 : memref<4x128xi32, #tpu.memory_space<hbm>>) target(%arg5 : memref<4x128xi32, #tpu.memory_space<vmem>>) target_semaphore(%run_scoped3A : memref<!tpu.dma_semaphore, #tpu.memory_space<semaphore_mem>>)
      %dma_wait3A_103 = arith.constant 0 : i32
      %dma_wait3A_104 = tpu.memref_slice %arg3[%mul3A_4, %dma_wait3A_103] : memref<128x128xi32, #tpu.memory_space<hbm>> -> memref<4x128xi32, #tpu.memory_space<hbm>>
      %dma_wait3A_105 = arith.constant 0 : i32
      %dma_wait3A_106 = tpu.memref_slice %arg3[%mul3A_4, %dma_wait3A_105] : memref<128x128xi32, #tpu.memory_space<hbm>> -> memref<4x128xi32, #tpu.memory_space<hbm>>
      tpu.wait_dma2 semaphore(%run_scoped3A : memref<!tpu.dma_semaphore, #tpu.memory_space<semaphore_mem>>) src(%dma_wait3A_106 : memref<4x128xi32, #tpu.memory_space<hbm>>) dst(%arg5 : memref<4x128xi32, #tpu.memory_space<vmem>>)
      tpu.yield
    }) : () -> ()
    %dma_start3A = arith.constant 0 : i32
    %dma_start3A_5 = arith.constant 0 : i32
    %dma_start3A_6 = tpu.memref_slice %arg5[%dma_start3A, %dma_start3A_5] : memref<4x128xi32, #tpu.memory_space<vmem>> -> memref<1x128xi32, #tpu.memory_space<vmem>>
    %dma_start3A_7 = tpu.memref_squeeze %dma_start3A_6 : memref<1x128xi32, #tpu.memory_space<vmem>> -> memref<128xi32, #tpu.memory_space<vmem>>
    %dma_start3A_8 = arith.constant 0 : i32
    %dma_start3A_9 = arith.constant 0 : i32
    %dma_start3A_10 = tpu.memref_slice %arg2[%dma_start3A_8, %dma_start3A_9] : memref<1024x256xf32, #tpu.memory_space<hbm>> -> memref<1024x256xf32, #tpu.memory_space<hbm>>
    tpu.enqueue_indirect_dma source(%dma_start3A_10 : memref<1024x256xf32, #tpu.memory_space<hbm>>) target(%arg6 : memref<128x256xf32, #tpu.memory_space<vmem>>) offsets(%dma_start3A_7 : memref<128xi32, #tpu.memory_space<vmem>>) semaphore(%arg9 : memref<!tpu.dma_semaphore, #tpu.memory_space<semaphore_mem>>)
    %dma_start3A_11 = arith.constant 1 : i32
    %dma_start3A_12 = arith.constant 0 : i32
    %dma_start3A_13 = tpu.memref_slice %arg5[%dma_start3A_11, %dma_start3A_12] : memref<4x128xi32, #tpu.memory_space<vmem>> -> memref<1x128xi32, #tpu.memory_space<vmem>>
    %dma_start3A_14 = tpu.memref_squeeze %dma_start3A_13 : memref<1x128xi32, #tpu.memory_space<vmem>> -> memref<128xi32, #tpu.memory_space<vmem>>
    %dma_start3A_15 = arith.constant 0 : i32
    %dma_start3A_16 = arith.constant 0 : i32
    %dma_start3A_17 = tpu.memref_slice %arg2[%dma_start3A_15, %dma_start3A_16] : memref<1024x256xf32, #tpu.memory_space<hbm>> -> memref<1024x256xf32, #tpu.memory_space<hbm>>
    tpu.enqueue_indirect_dma source(%dma_start3A_17 : memref<1024x256xf32, #tpu.memory_space<hbm>>) target(%arg7 : memref<128x256xf32, #tpu.memory_space<vmem>>) offsets(%dma_start3A_14 : memref<128xi32, #tpu.memory_space<vmem>>) semaphore(%arg10 : memref<!tpu.dma_semaphore, #tpu.memory_space<semaphore_mem>>)
    %dma_wait3A = arith.constant 0 : i32
    %dma_wait3A_18 = arith.constant 0 : i32
    %dma_wait3A_19 = tpu.memref_slice %arg5[%dma_wait3A, %dma_wait3A_18] : memref<4x128xi32, #tpu.memory_space<vmem>> -> memref<1x128xi32, #tpu.memory_space<vmem>>
    %dma_wait3A_20 = tpu.memref_squeeze %dma_wait3A_19 : memref<1x128xi32, #tpu.memory_space<vmem>> -> memref<128xi32, #tpu.memory_space<vmem>>
    %dma_wait3A_21 = arith.constant 0 : i32
    %dma_wait3A_22 = arith.constant 0 : i32
    %dma_wait3A_23 = tpu.memref_slice %arg2[%dma_wait3A_21, %dma_wait3A_22] : memref<1024x256xf32, #tpu.memory_space<hbm>> -> memref<1024x256xf32, #tpu.memory_space<hbm>>
    tpu.wait_indirect_dma semaphore(%arg9 : memref<!tpu.dma_semaphore, #tpu.memory_space<semaphore_mem>>) src(%dma_wait3A_23 : memref<1024x256xf32, #tpu.memory_space<hbm>>) dst(%arg6 : memref<128x256xf32, #tpu.memory_space<vmem>>)
    %add3A_24 = arith.constant 0 : i32
    %add3A_25 = arith.addi %mul3A_2, %add3A_24 : i32
    %dma_start3A_26 = arith.constant 0 : i32
    %dma_start3A_27 = tpu.memref_slice %arg4[%add3A_25, %dma_start3A_26] : memref<16384x256xf32, #tpu.memory_space<hbm>> -> memref<128x256xf32, #tpu.memory_space<hbm>>
    %dma_start3A_28 = arith.constant 0 : i32
    %dma_start3A_29 = tpu.memref_slice %arg4[%add3A_25, %dma_start3A_28] : memref<16384x256xf32, #tpu.memory_space<hbm>> -> memref<128x256xf32, #tpu.memory_space<hbm>>
    tpu.enqueue_dma source(%arg6 : memref<128x256xf32, #tpu.memory_space<vmem>>) target(%dma_start3A_29 : memref<128x256xf32, #tpu.memory_space<hbm>>) target_semaphore(%arg12 : memref<!tpu.dma_semaphore, #tpu.memory_space<semaphore_mem>>)
    %dma_start3A_30 = arith.constant 2 : i32
    %dma_start3A_31 = arith.constant 0 : i32
    %dma_start3A_32 = tpu.memref_slice %arg5[%dma_start3A_30, %dma_start3A_31] : memref<4x128xi32, #tpu.memory_space<vmem>> -> memref<1x128xi32, #tpu.memory_space<vmem>>
    %dma_start3A_33 = tpu.memref_squeeze %dma_start3A_32 : memref<1x128xi32, #tpu.memory_space<vmem>> -> memref<128xi32, #tpu.memory_space<vmem>>
    %dma_start3A_34 = arith.constant 0 : i32
    %dma_start3A_35 = arith.constant 0 : i32
    %dma_start3A_36 = tpu.memref_slice %arg2[%dma_start3A_34, %dma_start3A_35] : memref<1024x256xf32, #tpu.memory_space<hbm>> -> memref<1024x256xf32, #tpu.memory_space<hbm>>
    tpu.enqueue_indirect_dma source(%dma_start3A_36 : memref<1024x256xf32, #tpu.memory_space<hbm>>) target(%arg8 : memref<128x256xf32, #tpu.memory_space<vmem>>) offsets(%dma_start3A_33 : memref<128xi32, #tpu.memory_space<vmem>>) semaphore(%arg11 : memref<!tpu.dma_semaphore, #tpu.memory_space<semaphore_mem>>)
    %dma_wait3A_37 = arith.constant 1 : i32
    %dma_wait3A_38 = arith.constant 0 : i32
    %dma_wait3A_39 = tpu.memref_slice %arg5[%dma_wait3A_37, %dma_wait3A_38] : memref<4x128xi32, #tpu.memory_space<vmem>> -> memref<1x128xi32, #tpu.memory_space<vmem>>
    %dma_wait3A_40 = tpu.memref_squeeze %dma_wait3A_39 : memref<1x128xi32, #tpu.memory_space<vmem>> -> memref<128xi32, #tpu.memory_space<vmem>>
    %dma_wait3A_41 = arith.constant 0 : i32
    %dma_wait3A_42 = arith.constant 0 : i32
    %dma_wait3A_43 = tpu.memref_slice %arg2[%dma_wait3A_41, %dma_wait3A_42] : memref<1024x256xf32, #tpu.memory_space<hbm>> -> memref<1024x256xf32, #tpu.memory_space<hbm>>
    tpu.wait_indirect_dma semaphore(%arg10 : memref<!tpu.dma_semaphore, #tpu.memory_space<semaphore_mem>>) src(%dma_wait3A_43 : memref<1024x256xf32, #tpu.memory_space<hbm>>) dst(%arg7 : memref<128x256xf32, #tpu.memory_space<vmem>>)
    %add3A_44 = arith.constant 128 : i32
    %add3A_45 = arith.addi %mul3A_2, %add3A_44 : i32
    %dma_start3A_46 = arith.constant 0 : i32
    %dma_start3A_47 = tpu.memref_slice %arg4[%add3A_45, %dma_start3A_46] : memref<16384x256xf32, #tpu.memory_space<hbm>> -> memref<128x256xf32, #tpu.memory_space<hbm>>
    %dma_start3A_48 = arith.constant 0 : i32
    %dma_start3A_49 = tpu.memref_slice %arg4[%add3A_45, %dma_start3A_48] : memref<16384x256xf32, #tpu.memory_space<hbm>> -> memref<128x256xf32, #tpu.memory_space<hbm>>
    tpu.enqueue_dma source(%arg7 : memref<128x256xf32, #tpu.memory_space<vmem>>) target(%dma_start3A_49 : memref<128x256xf32, #tpu.memory_space<hbm>>) target_semaphore(%arg13 : memref<!tpu.dma_semaphore, #tpu.memory_space<semaphore_mem>>)
    %dma_wait3A_50 = arith.constant 0 : i32
    %dma_wait3A_51 = tpu.memref_slice %arg4[%add3A_25, %dma_wait3A_50] : memref<16384x256xf32, #tpu.memory_space<hbm>> -> memref<128x256xf32, #tpu.memory_space<hbm>>
    %dma_wait3A_52 = arith.constant 0 : i32
    %dma_wait3A_53 = tpu.memref_slice %arg4[%add3A_25, %dma_wait3A_52] : memref<16384x256xf32, #tpu.memory_space<hbm>> -> memref<128x256xf32, #tpu.memory_space<hbm>>
    tpu.wait_dma2 semaphore(%arg12 : memref<!tpu.dma_semaphore, #tpu.memory_space<semaphore_mem>>) src(%arg6 : memref<128x256xf32, #tpu.memory_space<vmem>>) dst(%dma_wait3A_53 : memref<128x256xf32, #tpu.memory_space<hbm>>)
    %dma_start3A_54 = arith.constant 3 : i32
    %dma_start3A_55 = arith.constant 0 : i32
    %dma_start3A_56 = tpu.memref_slice %arg5[%dma_start3A_54, %dma_start3A_55] : memref<4x128xi32, #tpu.memory_space<vmem>> -> memref<1x128xi32, #tpu.memory_space<vmem>>
    %dma_start3A_57 = tpu.memref_squeeze %dma_start3A_56 : memref<1x128xi32, #tpu.memory_space<vmem>> -> memref<128xi32, #tpu.memory_space<vmem>>
    %dma_start3A_58 = arith.constant 0 : i32
    %dma_start3A_59 = arith.constant 0 : i32
    %dma_start3A_60 = tpu.memref_slice %arg2[%dma_start3A_58, %dma_start3A_59] : memref<1024x256xf32, #tpu.memory_space<hbm>> -> memref<1024x256xf32, #tpu.memory_space<hbm>>
    tpu.enqueue_indirect_dma source(%dma_start3A_60 : memref<1024x256xf32, #tpu.memory_space<hbm>>) target(%arg6 : memref<128x256xf32, #tpu.memory_space<vmem>>) offsets(%dma_start3A_57 : memref<128xi32, #tpu.memory_space<vmem>>) semaphore(%arg9 : memref<!tpu.dma_semaphore, #tpu.memory_space<semaphore_mem>>)
    %dma_wait3A_61 = arith.constant 2 : i32
    %dma_wait3A_62 = arith.constant 0 : i32
    %dma_wait3A_63 = tpu.memref_slice %arg5[%dma_wait3A_61, %dma_wait3A_62] : memref<4x128xi32, #tpu.memory_space<vmem>> -> memref<1x128xi32, #tpu.memory_space<vmem>>
    %dma_wait3A_64 = tpu.memref_squeeze %dma_wait3A_63 : memref<1x128xi32, #tpu.memory_space<vmem>> -> memref<128xi32, #tpu.memory_space<vmem>>
    %dma_wait3A_65 = arith.constant 0 : i32
    %dma_wait3A_66 = arith.constant 0 : i32
    %dma_wait3A_67 = tpu.memref_slice %arg2[%dma_wait3A_65, %dma_wait3A_66] : memref<1024x256xf32, #tpu.memory_space<hbm>> -> memref<1024x256xf32, #tpu.memory_space<hbm>>
    tpu.wait_indirect_dma semaphore(%arg11 : memref<!tpu.dma_semaphore, #tpu.memory_space<semaphore_mem>>) src(%dma_wait3A_67 : memref<1024x256xf32, #tpu.memory_space<hbm>>) dst(%arg8 : memref<128x256xf32, #tpu.memory_space<vmem>>)
    %add3A_68 = arith.constant 256 : i32
    %add3A_69 = arith.addi %mul3A_2, %add3A_68 : i32
    %dma_start3A_70 = arith.constant 0 : i32
    %dma_start3A_71 = tpu.memref_slice %arg4[%add3A_69, %dma_start3A_70] : memref<16384x256xf32, #tpu.memory_space<hbm>> -> memref<128x256xf32, #tpu.memory_space<hbm>>
    %dma_start3A_72 = arith.constant 0 : i32
    %dma_start3A_73 = tpu.memref_slice %arg4[%add3A_69, %dma_start3A_72] : memref<16384x256xf32, #tpu.memory_space<hbm>> -> memref<128x256xf32, #tpu.memory_space<hbm>>
    tpu.enqueue_dma source(%arg8 : memref<128x256xf32, #tpu.memory_space<vmem>>) target(%dma_start3A_73 : memref<128x256xf32, #tpu.memory_space<hbm>>) target_semaphore(%arg14 : memref<!tpu.dma_semaphore, #tpu.memory_space<semaphore_mem>>)
    %dma_wait3A_74 = arith.constant 3 : i32
    %dma_wait3A_75 = arith.constant 0 : i32
    %dma_wait3A_76 = tpu.memref_slice %arg5[%dma_wait3A_74, %dma_wait3A_75] : memref<4x128xi32, #tpu.memory_space<vmem>> -> memref<1x128xi32, #tpu.memory_space<vmem>>
    %dma_wait3A_77 = tpu.memref_squeeze %dma_wait3A_76 : memref<1x128xi32, #tpu.memory_space<vmem>> -> memref<128xi32, #tpu.memory_space<vmem>>
    %dma_wait3A_78 = arith.constant 0 : i32
    %dma_wait3A_79 = arith.constant 0 : i32
    %dma_wait3A_80 = tpu.memref_slice %arg2[%dma_wait3A_78, %dma_wait3A_79] : memref<1024x256xf32, #tpu.memory_space<hbm>> -> memref<1024x256xf32, #tpu.memory_space<hbm>>
    tpu.wait_indirect_dma semaphore(%arg9 : memref<!tpu.dma_semaphore, #tpu.memory_space<semaphore_mem>>) src(%dma_wait3A_80 : memref<1024x256xf32, #tpu.memory_space<hbm>>) dst(%arg6 : memref<128x256xf32, #tpu.memory_space<vmem>>)
    %add3A_81 = arith.constant 384 : i32
    %add3A_82 = arith.addi %mul3A_2, %add3A_81 : i32
    %dma_start3A_83 = arith.constant 0 : i32
    %dma_start3A_84 = tpu.memref_slice %arg4[%add3A_82, %dma_start3A_83] : memref<16384x256xf32, #tpu.memory_space<hbm>> -> memref<128x256xf32, #tpu.memory_space<hbm>>
    %dma_start3A_85 = arith.constant 0 : i32
    %dma_start3A_86 = tpu.memref_slice %arg4[%add3A_82, %dma_start3A_85] : memref<16384x256xf32, #tpu.memory_space<hbm>> -> memref<128x256xf32, #tpu.memory_space<hbm>>
    tpu.enqueue_dma source(%arg6 : memref<128x256xf32, #tpu.memory_space<vmem>>) target(%dma_start3A_86 : memref<128x256xf32, #tpu.memory_space<hbm>>) target_semaphore(%arg12 : memref<!tpu.dma_semaphore, #tpu.memory_space<semaphore_mem>>)
    %dma_wait3A_87 = arith.constant 0 : i32
    %dma_wait3A_88 = tpu.memref_slice %arg4[%add3A_45, %dma_wait3A_87] : memref<16384x256xf32, #tpu.memory_space<hbm>> -> memref<128x256xf32, #tpu.memory_space<hbm>>
    %dma_wait3A_89 = arith.constant 0 : i32
    %dma_wait3A_90 = tpu.memref_slice %arg4[%add3A_45, %dma_wait3A_89] : memref<16384x256xf32, #tpu.memory_space<hbm>> -> memref<128x256xf32, #tpu.memory_space<hbm>>
    tpu.wait_dma2 semaphore(%arg13 : memref<!tpu.dma_semaphore, #tpu.memory_space<semaphore_mem>>) src(%arg7 : memref<128x256xf32, #tpu.memory_space<vmem>>) dst(%dma_wait3A_90 : memref<128x256xf32, #tpu.memory_space<hbm>>)
    %dma_wait3A_91 = arith.constant 0 : i32
    %dma_wait3A_92 = tpu.memref_slice %arg4[%add3A_69, %dma_wait3A_91] : memref<16384x256xf32, #tpu.memory_space<hbm>> -> memref<128x256xf32, #tpu.memory_space<hbm>>
    %dma_wait3A_93 = arith.constant 0 : i32
    %dma_wait3A_94 = tpu.memref_slice %arg4[%add3A_69, %dma_wait3A_93] : memref<16384x256xf32, #tpu.memory_space<hbm>> -> memref<128x256xf32, #tpu.memory_space<hbm>>
    tpu.wait_dma2 semaphore(%arg14 : memref<!tpu.dma_semaphore, #tpu.memory_space<semaphore_mem>>) src(%arg8 : memref<128x256xf32, #tpu.memory_space<vmem>>) dst(%dma_wait3A_94 : memref<128x256xf32, #tpu.memory_space<hbm>>)
    %dma_wait3A_95 = arith.constant 0 : i32
    %dma_wait3A_96 = tpu.memref_slice %arg4[%add3A_82, %dma_wait3A_95] : memref<16384x256xf32, #tpu.memory_space<hbm>> -> memref<128x256xf32, #tpu.memory_space<hbm>>
    %dma_wait3A_97 = arith.constant 0 : i32
    %dma_wait3A_98 = tpu.memref_slice %arg4[%add3A_82, %dma_wait3A_97] : memref<16384x256xf32, #tpu.memory_space<hbm>> -> memref<128x256xf32, #tpu.memory_space<hbm>>
    tpu.wait_dma2 semaphore(%arg12 : memref<!tpu.dma_semaphore, #tpu.memory_space<semaphore_mem>>) src(%arg6 : memref<128x256xf32, #tpu.memory_space<vmem>>) dst(%dma_wait3A_98 : memref<128x256xf32, #tpu.memory_space<hbm>>)
    return
  }
}

module attributes {stable_mosaic.version = 14 : i64} {
  func.func @_dist_argmin_kernel(%arg0: i32, %arg1: memref<4096x256xf32, #tpu.memory_space<vmem>>, %arg2: memref<1024x256xf32, #tpu.memory_space<vmem>>, %arg3: memref<1x1024xf32, #tpu.memory_space<vmem>>, %arg4: memref<1x1024xf32, #tpu.memory_space<vmem>>, %arg5: memref<1x1x4096xi32, #tpu.memory_space<vmem>>) attributes {dimension_semantics = [#tpu.dimension_semantics<arbitrary>], iteration_bounds = array<i64: 4>, scalar_prefetch = 0 : i64, scratch_operands = 0 : i64, tpu.core_type = #tpu.core_type<tc>, window_params = [{transform_indices = @transform_0, window_bounds = array<i64: 4096, 256>}, {pipeline_mode = #tpu.pipeline_mode<synchronous>, transform_indices = @transform_1, window_bounds = array<i64: 1024, 256>}, {pipeline_mode = #tpu.pipeline_mode<synchronous>, transform_indices = @transform_2, window_bounds = array<i64: 1, 1024>}, {pipeline_mode = #tpu.pipeline_mode<synchronous>, transform_indices = @transform_3, window_bounds = array<i64: 1, 1024>}, {transform_indices = @transform_4, window_bounds = array<i64: 1, 1, 4096>}]} {
    %get3A = arith.constant 0 : index
    %get3A_0 = arith.constant 0 : index
    %get3A_1 = vector.load %arg1[%get3A, %get3A_0] : memref<4096x256xf32, #tpu.memory_space<vmem>>, vector<4096x256xf32>
    %mul3A = arith.constant -2.000000e+00 : f32
    %mul3A_2 = vector.broadcast %mul3A : f32 to vector<4096x256xf32>
    %mul3A_3 = arith.mulf %get3A_1, %mul3A_2 : vector<4096x256xf32>
    %get3A_4 = arith.constant 0 : index
    %get3A_5 = arith.constant 0 : index
    %get3A_6 = vector.load %arg2[%get3A_4, %get3A_5] : memref<1024x256xf32, #tpu.memory_space<vmem>>, vector<1024x256xf32>
    %dot_general3A = arith.constant dense<0.000000e+00> : vector<4096x1024xf32>
    %dot_general3A_7 = tpu.matmul %mul3A_3, %get3A_6, %dot_general3A {dimension_numbers = #tpu.dot_dimension_numbers<[1], [1], [0], [0], [0, 0, 1, 0], [], []>, transpose_lhs_hint = false} : vector<4096x256xf32>, vector<1024x256xf32>, vector<4096x1024xf32> -> vector<4096x1024xf32>
    %mul3A_8 = arith.mulf %get3A_1, %get3A_1 : vector<4096x256xf32>
    %reduce_sum3A = arith.constant dense<0.000000e+00> : vector<4096xf32>
    %reduce_sum3A_9 = vector.multi_reduction <add>, %mul3A_8, %reduce_sum3A [1] : vector<4096x256xf32> to vector<4096xf32>
    %broadcast_in_dim3A = vector.shape_cast %reduce_sum3A_9 : vector<4096xf32> to vector<4096x1xf32>
    %get3A_10 = arith.constant 0 : index
    %get3A_11 = arith.constant 0 : index
    %get3A_12 = vector.load %arg3[%get3A_10, %get3A_11] : memref<1x1024xf32, #tpu.memory_space<vmem>>, vector<1x1024xf32>
    %add3A = vector.broadcast %broadcast_in_dim3A : vector<4096x1xf32> to vector<4096x1024xf32>
    %add3A_13 = vector.broadcast %get3A_12 : vector<1x1024xf32> to vector<4096x1024xf32>
    %add3A_14 = arith.addf %add3A, %add3A_13 : vector<4096x1024xf32>
    %add3A_15 = arith.addf %add3A_14, %dot_general3A_7 : vector<4096x1024xf32>
    %reduce_min3A = arith.constant dense<0x7F800000> : vector<4096xf32>
    %reduce_min3A_16 = vector.multi_reduction <minimumf>, %add3A_15, %reduce_min3A [1] : vector<4096x1024xf32> to vector<4096xf32>
    %broadcast_in_dim3A_17 = vector.shape_cast %reduce_min3A_16 : vector<4096xf32> to vector<4096x1xf32>
    %max3A = arith.constant 0.000000e+00 : f32
    %max3A_18 = vector.broadcast %max3A : f32 to vector<4096x1xf32>
    %max3A_19 = arith.maximumf %broadcast_in_dim3A_17, %max3A_18 : vector<4096x1xf32>
    %sqrt3A = math.sqrt %max3A_19 : vector<4096x1xf32>
    %bitcast_convert_type3A = tpu.bitcast %sqrt3A : vector<4096x1xf32> -> vector<4096x1xi32>
    %add3A_20 = arith.constant 1 : i32
    %add3A_21 = vector.broadcast %add3A_20 : i32 to vector<4096x1xi32>
    %add3A_22 = arith.addi %bitcast_convert_type3A, %add3A_21 : vector<4096x1xi32>
    %bitcast_convert_type3A_23 = tpu.bitcast %add3A_22 : vector<4096x1xi32> -> vector<4096x1xf32>
    %mul3A_24 = arith.mulf %sqrt3A, %bitcast_convert_type3A_23 : vector<4096x1xf32>
    %bitcast_convert_type3A_25 = tpu.bitcast %mul3A_24 : vector<4096x1xf32> -> vector<4096x1xi32>
    %sub3A = arith.constant 1 : i32
    %sub3A_26 = vector.broadcast %sub3A : i32 to vector<4096x1xi32>
    %sub3A_27 = arith.subi %bitcast_convert_type3A_25, %sub3A_26 : vector<4096x1xi32>
    %bitcast_convert_type3A_28 = tpu.bitcast %sub3A_27 : vector<4096x1xi32> -> vector<4096x1xf32>
    %add3A_29 = arith.constant 1 : i32
    %add3A_30 = vector.broadcast %add3A_29 : i32 to vector<4096x1xi32>
    %add3A_31 = arith.addi %bitcast_convert_type3A_25, %add3A_30 : vector<4096x1xi32>
    %bitcast_convert_type3A_32 = tpu.bitcast %add3A_31 : vector<4096x1xi32> -> vector<4096x1xf32>
    %sqrt3A_33 = math.sqrt %bitcast_convert_type3A_32 : vector<4096x1xf32>
    %eq3A = arith.cmpf oeq, %sqrt3A_33, %sqrt3A : vector<4096x1xf32>
    %sqrt3A_34 = math.sqrt %mul3A_24 : vector<4096x1xf32>
    %eq3A_35 = arith.cmpf oeq, %sqrt3A_34, %sqrt3A : vector<4096x1xf32>
    %sqrt3A_36 = math.sqrt %bitcast_convert_type3A_28 : vector<4096x1xf32>
    %eq3A_37 = arith.cmpf oeq, %sqrt3A_36, %sqrt3A : vector<4096x1xf32>
    %select_n3A = arith.select %eq3A_37, %bitcast_convert_type3A_28, %broadcast_in_dim3A_17 : vector<4096x1xi1>, vector<4096x1xf32>
    %select_n3A_38 = arith.select %eq3A_35, %mul3A_24, %select_n3A : vector<4096x1xi1>, vector<4096x1xf32>
    %select_n3A_39 = arith.select %eq3A, %bitcast_convert_type3A_32, %select_n3A_38 : vector<4096x1xi1>, vector<4096x1xf32>
    %gt3A = arith.constant 0.000000e+00 : f32
    %gt3A_40 = vector.broadcast %gt3A : f32 to vector<4096x1xf32>
    %gt3A_41 = arith.cmpf ogt, %sqrt3A, %gt3A_40 : vector<4096x1xf32>
    %jit3A = arith.constant 0.000000e+00 : f32
    %broadcast_in_dim3A_42 = vector.broadcast %jit3A : f32 to vector<4096x1xf32>
    %select_n3A_43 = arith.select %gt3A_41, %select_n3A_39, %broadcast_in_dim3A_42 : vector<4096x1xi1>, vector<4096x1xf32>
    %get3A_44 = arith.constant 0 : index
    %get3A_45 = arith.constant 0 : index
    %get3A_46 = vector.load %arg4[%get3A_44, %get3A_45] : memref<1x1024xf32, #tpu.memory_space<vmem>>, vector<1x1024xf32>
    %le3A = vector.broadcast %select_n3A_43 : vector<4096x1xf32> to vector<4096x1024xf32>
    %le3A_47 = arith.cmpf ole, %add3A_15, %le3A : vector<4096x1024xf32>
    %jit3A_48 = arith.constant 1.024000e+03 : f32
    %broadcast_in_dim3A_49 = vector.shape_cast %get3A_46 : vector<1x1024xf32> to vector<1x1024xf32>
    %broadcast_in_dim3A_50 = vector.broadcast %broadcast_in_dim3A_49 : vector<1x1024xf32> to vector<4096x1024xf32>
    %broadcast_in_dim3A_51 = vector.broadcast %jit3A_48 : f32 to vector<4096x1024xf32>
    %select_n3A_52 = arith.select %le3A_47, %broadcast_in_dim3A_50, %broadcast_in_dim3A_51 : vector<4096x1024xi1>, vector<4096x1024xf32>
    %reduce_min3A_53 = arith.constant dense<0x7F800000> : vector<4096xf32>
    %reduce_min3A_54 = vector.multi_reduction <minimumf>, %select_n3A_52, %reduce_min3A_53 [1] : vector<4096x1024xf32> to vector<4096xf32>
    %convert_element_type3A = arith.fptosi %reduce_min3A_54 : vector<4096xf32> to vector<4096xi32>
    %reshape3A = vector.shape_cast %convert_element_type3A : vector<4096xi32> to vector<1x1x4096xi32>
    %swap3A = arith.constant 0 : index
    %swap3A_55 = arith.constant 0 : index
    %swap3A_56 = arith.constant 0 : index
    %swap3A_57 = vector.load %arg5[%swap3A, %swap3A_55, %swap3A_56] : memref<1x1x4096xi32, #tpu.memory_space<vmem>>, vector<1x1x4096xi32>
    tpu.vector_store %arg5[%swap3A, %swap3A_55, %swap3A_56], %reshape3A {strides = array<i32>} : memref<1x1x4096xi32, #tpu.memory_space<vmem>>, vector<1x1x4096xi32>,
    return
  }
  func.func @transform_0(%arg0: i32) -> (i32, i32) {
    %c0_i32 = arith.constant 0 : i32
    %c0_i32_0 = arith.constant 0 : i32
    return %arg0, %c0_i32 : i32, i32
  }
  func.func @transform_1(%arg0: i32) -> (i32, i32) {
    %c0_i32 = arith.constant 0 : i32
    %c0_i32_0 = arith.constant 0 : i32
    %c0_i32_1 = arith.constant 0 : i32
    return %c0_i32, %c0_i32_0 : i32, i32
  }
  func.func @transform_2(%arg0: i32) -> (i32, i32) {
    %c0_i32 = arith.constant 0 : i32
    %c0_i32_0 = arith.constant 0 : i32
    %c0_i32_1 = arith.constant 0 : i32
    return %c0_i32, %c0_i32_0 : i32, i32
  }
  func.func @transform_3(%arg0: i32) -> (i32, i32) {
    %c0_i32 = arith.constant 0 : i32
    %c0_i32_0 = arith.constant 0 : i32
    %c0_i32_1 = arith.constant 0 : i32
    return %c0_i32, %c0_i32_0 : i32, i32
  }
  func.func @transform_4(%arg0: i32) -> (i32, i32, i32) {
    %c0_i32 = arith.constant 0 : i32
    %c0_i32_0 = arith.constant 0 : i32
    %c0_i32_1 = arith.constant 0 : i32
    return %arg0, %c0_i32, %c0_i32_0 : i32, i32, i32
  }
}

</mosaic_0001>

<sc_bundles>
// kernel: kernel.4.cloned.1.call-start
scs
__scs_entry_jumppad:
0x0: {  	(pc) =	sbr.rel $0x88, $3  }
0x1: {  	(tag) =	ssettag $0x0;
	lr =	simm.s32 $0x1  }
0x2: {  	[smem:$0x3F9F] =	sst lr;
	_ =	strace $0xD0000000  }
0x3: {  	_ = 	snop  }
0x4: {  	_ = 	snop  }
0x5: {  	_ = 	snop  }
0x6: {  	_ = 	snop  }
0x7: {  	_ = 	snop  }
__scs_overlays_trampoline_lowered:
0x8: {  	[smem:$0x3FAE] =	sst s0  }
0x9: {  	[smem:$0x3FAF] =	sst s1  }
0xa: {  	[smem:$0x3FB0] =	sst s2  }
0xb: {  	[smem:$0x3FB1] =	sst s3  }
0xc: {  	[smem:$0x3FB2] =	sst s4  }
0xd: {  	[smem:$0x3FB3] =	sst s5  }
0xe: {  	[smem:$0x3FB4] =	sst s6  }
0xf: {  	[smem:$0x3FB5] =	sst s7  }
0x10: {  	[smem:$0x3FB6] =	sst s8  }
0x11: {  	[smem:$0x3FB7] =	sst s9;
	s0 =	simm.s32 @!p0 $0x0  }
0x12: {  	s1 =	sld [smem:$0x3F9D];
	s0 =	simm.s32 @p0 $0x1  }
0x13: {  	[smem:$0x3FB8] =	sst s0;
	s0 =	simm.s32 @!p1 $0x0  }
0x14: {  	s2 =	sld [smem:$0x3F9C];
	s0 =	simm.s32 @p1 $0x1  }
0x15: {  	[smem:$0x3FB9] =	sst s0;
	s0 =	simm.s32 @!p2 $0x0  }
0x16: {  	s3 =	sld [smem:$0x3FDB];
	s0 =	simm.s32 @p2 $0x1  }
0x17: {  	s4 =	simm.s32 $0x1BF5;
	[smem:$0x3FBB] =	sst s0  }
0x18: {  	s0 =	sld [smem:$0x3F9E];
	_ =	swait.ge [sflag:s4], $0x0  }
0x19: {  	s7 =	sld [smem:$0x3F9F]  }
0x1a: {  	s8 =	sadd.s32 $0xFFFFE003, lr  }
0x1b: {  	s9 =	sadd.s32 $0xFFFFFEF7, lr;
	s5 =	simm.s32 $0xFFFFFFFF;
	p2 =	slt.u32 s8, $0xFFFFF086  }
0x1c: {  	p1 =	slt.u32 s9, $0xF7A;
	s5 =	simm.s32 @!p2 $0x0  }
0x1d: {  	s5 =	simm.s32 @p1 $0x1;
	p0 =	seq.s32 s7, s2  }
0x1e: {  	s7 =	smul.u32 @!p0 $0xF7A, s2;
	p2 =	seq.s32 @!p0 s5, $0x0  }
0x1f: {  	s9 =	smul.u32 $0xF7A, s1;
	s8 =	simm.s32 @!p0 $0x1BF5;
	p2 =	por !p2, p0  }
0x20: {  	[sflag:s8] =	ssyncset.s32 @!p0 $0xFFFFF086;
	s6 =	sadd.s32 @!p0 s3, s7;
	s7 =	simm.s32 @!p0 $0x108  }
0x21: {  	s3 =	sadd.s32 s3, s9;
	s6 =	sadd.s32 @!p0 $0x88, s6;
	s7 =	simm.s32 @p2 $0x1082  }
0x22: {  	[simem:s7], [sflag:s8] =	dma.local @!p0 [hbm:s6], $0xF7A  }
0x23: {  	s9 =	sor.u32 $0xD0000000, s2;
	s6 =	simm.s32 $0x108;
	_ =	swait.ge @!p0 [sflag:s8], $0x0  }
0x24: {  	s3 =	sadd.s32 $0x88, s3;
	s6 =	simm.s32 @!p1 $0x1082;
	[sflag:s4] =	ssyncset.s32 $0xFFFFF086  }
0x25: {  	[simem:s6], [sflag:s4] =	dma.local [hbm:s3], $0xF7A  }
0x26: {  	[smem:$0x3F9F] =	sst s1;
	(tag) =	ssettag s2;
	_ =	strace s9  }
0x27: {  	s1 =	sld [smem:$0x3FAF]  }
0x28: {  	s2 =	sld [smem:$0x3FB0]  }
0x29: {  	s4 =	sld [smem:$0x3FB2]  }
0x2a: {  	p0 =	seq.s32 s5, $0x0;
	s5 =	sld [smem:$0x3FB3]  }
0x2b: {  	s6 =	sld [smem:$0x3FB4]  }
0x2c: {  	s7 =	sld [smem:$0x3FB5]  }
0x2d: {  	s3 =	simm.s32 $0x108;
	s8 =	sld [smem:$0x3FB6]  }
0x2e: {  	s3 =	simm.s32 @!p0 $0x1082;
	s9 =	sld [smem:$0x3FB7]  }
0x2f: {  	lr =	sadd.s32 s0, s3;
	s0 =	sld [smem:$0x3FAE]  }
0x30: {  	s3 =	sld [smem:$0x3FB1]  }
0x31: {  	[smem:$0x3FBA] =	sst s10  }
0x32: {  	s10 =	sld [smem:$0x3FB8];
	_ =	sdelay $0x3  }
0x33: {  	p0 =	seq.s32 s10, $0x1;
	s10 =	sld [smem:$0x3FBA];
	_ =	sdelay $0x3  }
0x34: {  	[smem:$0x3FBA] =	sst s10  }
0x35: {  	s10 =	sld [smem:$0x3FB9];
	_ =	sdelay $0x3  }
0x36: {  	p1 =	seq.s32 s10, $0x1;
	s10 =	sld [smem:$0x3FBA];
	_ =	sdelay $0x3  }
0x37: {  	[smem:$0x3FBA] =	sst s10  }
0x38: {  	s10 =	sld [smem:$0x3FBB]  }
0x39: {  	_ = 	snop;
	(pc) =	sbr.ind lr, $3  }
0x3a: {  	_ = 	snop  }
0x3b: {  	_ = 	snop  }
0x3c: {  	p2 =	seq.s32 s10, $0x1;
	s10 =	sld [smem:$0x3FBA]  }
0x3d: {  	_ =	shalt  }
0x3e: {  	_ =	shalt  }
0x3f: {  	_ =	shalt  }
0x40: {  	_ =	shalt  }
0x41: {  	_ =	shalt  }
0x42: {  	_ =	shalt  }
0x43: {  	_ =	shalt  }
0x44: {  	_ =	shalt  }
0x45: {  	_ =	shalt  }
0x46: {  	_ =	shalt  }
0x47: {  	_ =	shalt  }
0x48: {  	_ =	shalt  }
0x49: {  	_ =	shalt  }
0x4a: {  	_ =	shalt  }
0x4b: {  	_ =	shalt  }
0x4c: {  	_ =	shalt  }
0x4d: {  	_ =	shalt  }
0x4e: {  	_ =	shalt  }
0x4f: {  	_ =	shalt  }
0x50: {  	_ =	shalt  }
0x51: {  	_ =	shalt  }
0x52: {  	_ =	shalt  }
0x53: {  	_ =	shalt  }
0x54: {  	_ =	shalt  }
0x55: {  	_ =	shalt  }
0x56: {  	_ =	shalt  }
0x57: {  	_ =	shalt  }
0x58: {  	_ =	shalt  }
0x59: {  	_ =	shalt  }
0x5a: {  	_ =	shalt  }
0x5b: {  	_ =	shalt  }
0x5c: {  	_ =	shalt  }
0x5d: {  	_ =	shalt  }
0x5e: {  	_ =	shalt  }
0x5f: {  	_ =	shalt  }
0x60: {  	_ =	shalt  }
0x61: {  	_ =	shalt  }
0x62: {  	_ =	shalt  }
0x63: {  	_ =	shalt  }
0x64: {  	_ =	shalt  }
0x65: {  	_ =	shalt  }
0x66: {  	_ =	shalt  }
0x67: {  	_ =	shalt  }
0x68: {  	_ =	shalt  }
0x69: {  	_ =	shalt  }
0x6a: {  	_ =	shalt  }
0x6b: {  	_ =	shalt  }
0x6c: {  	_ =	shalt  }
0x6d: {  	_ =	shalt  }
0x6e: {  	_ =	shalt  }
0x6f: {  	_ =	shalt  }
0x70: {  	_ =	shalt  }
0x71: {  	_ =	shalt  }
0x72: {  	_ =	shalt  }
0x73: {  	_ =	shalt  }
0x74: {  	_ =	shalt  }
0x75: {  	_ =	shalt  }
0x76: {  	_ =	shalt  }
0x77: {  	_ =	shalt  }
0x78: {  	_ =	shalt  }
0x79: {  	_ =	shalt  }
0x7a: {  	_ =	shalt  }
0x7b: {  	_ =	shalt  }
0x7c: {  	_ =	shalt  }
0x7d: {  	_ =	shalt  }
0x7e: {  	_ =	shalt  }
0x7f: {  	_ =	shalt  }
0x80: {  	_ =	shalt  }
0x81: {  	_ =	shalt  }
0x82: {  	_ =	shalt  }
0x83: {  	_ =	shalt  }
0x84: {  	_ =	shalt  }
0x85: {  	_ =	shalt  }
0x86: {  	_ =	shalt  }
0x87: {  	_ =	shalt  }
.Lfunc_end0:
.L_simem_size_0:
called_computation_lowered:
.L_overlay_start_0:
0x88: {  	s2 =	sld [smem:$0x3FD9]  }
0x89: {  	s3 =	sld [smem:$0x3FFE];
	_ =	sdelay $0x1  }
0x8a: {  	s1 =	srdreg.scid  }
0x8b: {  	s0 =	sand.u32 $0x1, s1  }
0x8c: {  	s14 =	sshll.u32 s0, $0xA;
	s2 =	sadd.s32 s3, s2  }
0x8d: {  	s2 =	sadd.s32 s2, s14  }
0x8e: {  	[smem:$0x3FC6] =	sst s2  }
0x8f: {  	_ = 	snop  }
0x90: {  	s2 =	sld [smem:$0x3FD0];
	_ =	sdelay $0x2  }
0x91: {  	s4 =	simm.s32 $0xA;
	s5 =	simm.s32 $0x10;
	s15 =	sld [smem:$0x3FC8]  }
0x92: {  	[smem:s5], [sflag:s4] =	dma.local [hbm:s2], $0x1  }
0x93: {  	_ =	swait.eq [sflag:s4], $0x1  }
0x94: {  	[sflag:s4] =	ssyncset.done $0x0  }
0x95: {  	[sflag:s4] =	ssyncadd.s32 $0xFFFFFFFF  }
0x96: {  	s16 =	sld [smem:$0x11];
	(tm) =	ssettm $0x1  }
0x97: {  	s17 =	sld [smem:$0x3FFB];
	_ =	sdelay $0x3  }
0x98: {  	_ =	strace s17  }
0x99: {  	s4 =	sld [smem:$0x3FFC];
	_ =	sdelay $0x3  }
0x9a: {  	_ =	strace s4  }
0x9b: {  	s4 =	sld [smem:$0x3FFD];
	_ =	sdelay $0x3  }
0x9c: {  	_ =	strace s4  }
0x9d: {  	_ =	strace $0x8FFFFFFF  }
0x9e: {  	s18 =	sld [smem:$0x3FDB];
	_ =	sdelay $0x1  }
0x9f: {  	s19 =	simm.s32 $_scs_section_size  }
0xa0: {  	s6 =	simm.s32 $_size__tile_overlayer_lowered;
	s7 =	simm.s32 $_tile_overlayer_lowered  }
0xa1: {  	s22 =	simm.s32 $0x1BFF;
	s21 =	sshll.u32 s7, $0x1;
	s4 =	sadd.s32 s19, s18  }
0xa2: {  	s8 =	simm.s32 $0x0;
	s20 =	sshll.u32 s6, $0x1;
	s6 =	sadd.s32 s21, s4  }
0xa3: {  	[timem:s8], [sflag:s22] =	dma.local [hbm:s6], s20  }
0xa4: {  	_ =	swait.ge [sflag:s22], s20  }
0xa5: {  	s5 =	ssub.s32 $0x0, s20;
	[sflag:s22] =	ssyncset.done $0x0  }
0xa6: {  	[sflag:s22] =	ssyncadd.s32 s5;
	_ =	sdelay $0x1  }
0xa7: {  	s23 =	simm.s32 $0x1B8B  }
0xa8: {  	_ =	swait.ge [sflag:s23], $0x1  }
0xa9: {  	[sflag:s23] =	ssyncset.done $0x0  }
0xaa: {  	s25 =	simm.s32 $0x1B8E;
	s24 =	sld [smem:$0x3FFE];
	[sflag:s23] =	ssyncadd.s32 $0xFFFFFFFF  }
0xab: {  	s26 =	simm.s32 $execute0_lowered;
	[smem:$0x3FD2] =	sst s25  }
0xac: {  	s6 =	sshll.u32 s26, $0x1;
	_ =	strace $0x80000046;
	[dreg:$0x1] =	wrdreg $0xFFFFFFFF  }
0xad: {  	s28 =	simm.s32 $_size_execute0_lowered;
	s4 =	sadd.s32 s4, s6;
	[dreg:$0x0] =	wrdreg $0x0  }
0xae: {  	s6 =	sshll.u32 s28, $0x1;
	[dreg:$0x2] =	wrdreg s4  }
0xaf: {  	[dreg:$0x3] =	wrdreg s6  }
0xb0: {  	[dreg:$0x4] =	wrdreg $0xC0  }
0xb1: {  	_ =	task [dreg:s8], $0x5FFFF  }
0xb2: {  	[dreg:$0x1] =	wrdreg $0xFFFFFFFF  }
0xb3: {  	[dreg:$0x0] =	wrdreg $0x60  }
0xb4: {  	[dreg:$0x2] =	wrdreg s15  }
0xb5: {  	[dreg:$0x3] =	wrdreg s24  }
0xb6: {  	[dreg:$0x4] =	wrdreg s16  }
0xb7: {  	[dreg:$0x5] =	wrdreg $0x9  }
0xb8: {  	_ =	task.clear_ibuf [dreg:s8], $0x6FFFF;
	_ =	strace $0x90000046  }
0xb9: {  	s29 =	simm.s32 $0x9;
	_ =	strace $0x80000048  }
0xba: {  	_ =	swait.ge [sflag:s29], $0x1  }
0xbb: {  	[sflag:s29] =	ssyncadd.s32 $0xFFFFFFFF  }
0xbc: {  	_ =	strace $0x90000048  }
0xbd: {  	_ =	sfence  }
0xbe: {  	s30 =	sld [smem:$0x0];
	_ =	sdelay $0x2  }
0xbf: {  	s31 =	sshll.u32 s1, $0xD;
	s1 =	sshrl.u32 s1, $0x2  }
0xc0: {  	s3 =	sand.u32 $0x4000, s31;
	s1 =	sadd.s32 s1, s30  }
0xc1: {  	s0 =	sor.u32 s3, s0;
	s1 =	sshll.u32 s1, $0x11  }
0xc2: {  	s0 =	sor.u32 s1, s0  }
0xc3: {  	s0 =	sadd.s32 $0x8F2B, s0  }
0xc4: {  	[sflag:s0] =	ssyncadd.remote.s32 $0x1  }
0xc5: {  	_ =	sfence.sel $0xFFFF  }
0xc6: {  	[dreg:$0x0] =	wrdreg $0xFFFFFFFF;
	(pc) =	sbr.abs _section_cstart, $3  }
0xc7: {  	[dreg:$0x1] =	wrdreg $0xFFFFFFFF  }
0xc8: {  	_ =	task.clear_ibuf [dreg:s8], $0x2FFFF;
	_ =	strace $0x9FFFFFFF  }
0xc9: {  	(tm) =	ssettm $0x7FFFFFFF  }
tec
execute0_lowered:
.L_overlay_start_1:
0x0: {  	(tag) =	ssettag $0x1  }
0x1: {  	s1 =	rddreg [dreg:$0x0]  }
0x2: {  	s0 =	rddreg [dreg:$0x1]  }
0x3: {  	s2 =	srdreg.scid;
	s4 =	rddreg [dreg:$0x2]  }
0x4: {  	s3 =	simm.s32 $0x0;
	s13 =	stileid.u32;
	s18 =	simm.s32 $0x8A00  }
0x5: {  	s19 =	simm.s32 $0x9200;
	s20 =	simm.s32 $0x9A00;
	[smem:$0x7FF] =	sst s3  }
0x6: {  	s21 =	simm.s32 $0xA200;
	_ =	strace $0x80000047;
	[dreg:$0x8] =	wrdreg s18  }
0x7: {  	s22 =	simm.s32 $0xAA00;
	s23 =	simm.s32 $0xB200;
	[dreg:$0x9] =	wrdreg s19  }
0x8: {  	s24 =	simm.s32 $0xBA00;
	s25 =	simm.s32 $0xC200;
	[dreg:$0xa] =	wrdreg s20  }
0x9: {  	s9 =	simm.s32 $0xE200;
	s10 =	simm.s32 $0xEA00;
	[dreg:$0xb] =	wrdreg s21  }
0xa: {  	s11 =	simm.s32 $0xF200;
	s12 =	simm.s32 $0xFA00;
	[dreg:$0xc] =	wrdreg s22  }
0xb: {  	s28 =	simm.s32 $0x2;
	s29 =	simm.s32 $0x4;
	[dreg:$0xd] =	wrdreg s23  }
0xc: {  	s30 =	simm.s32 $0x3;
	s31 =	simm.s32 $0x5;
	[dreg:$0xe] =	wrdreg s24  }
0xd: {  	s5 =	sand.u32 $0x1, s2;
	s6 =	sshll.u32 s13, $0x7;
	[dreg:$0xf] =	wrdreg s25  }
0xe: {  	s7 =	sshll.u32 s13, $0xF;
	s13 =	simm.s32 $0x10A00;
	[dreg:$0x13] =	wrdreg s9  }
0xf: {  	s2 =	sshll.u32 s5, $0x6;
	s8 =	sshll.u32 s5, $0xE;
	[dreg:$0x14] =	wrdreg s10  }
0x10: {  	s5 =	ssub.s32 $0x2, s5;
	s9 =	simm.s32 $0x1200;
	[dreg:$0x15] =	wrdreg s11  }
0x11: {  	s10 =	simm.s32 $0x1A00;
	[dreg:$0x16] =	wrdreg s12;
	s11 =	simm.s32 $0x2200  }
0x12: {  	[dreg:$0x17] =	wrdreg s13;
	s12 =	simm.s32 $0x2A00;
	s13 =	simm.s32 $0x3200  }
0x13: {  	s18 =	simm.s32 $0x13200;
	s19 =	simm.s32 $0x13A00;
	s20 =	simm.s32 $0x14200  }
0x14: {  	s21 =	simm.s32 $0x14A00;
	s22 =	simm.s32 $0x15200;
	[dreg:$0x1c] =	wrdreg s18  }
0x15: {  	s23 =	simm.s32 $0x15A00;
	s24 =	simm.s32 $0x16200;
	[dreg:$0x1d] =	wrdreg s19  }
0x16: {  	s25 =	simm.s32 $0x16A00;
	s0 =	sadd.s32 s2, s0;
	[dreg:$0x1e] =	wrdreg s20  }
0x17: {  	s14 =	sor.u32 s8, s7;
	s26 =	sshrl.u32 s5, $0x1;
	[dreg:$0x1f] =	wrdreg s21  }
0x18: {  	s2 =	simm.s32 $0xCA00;
	s7 =	simm.s32 $0xD200;
	[smem:$0x7F9] =	sst s22  }
0x19: {  	s8 =	simm.s32 $0xDA00;
	s18 =	simm.s32 $0x5A00;
	[smem:$0x7FA] =	sst s23  }
0x1a: {  	s19 =	simm.s32 $0x6200;
	s20 =	simm.s32 $0x6A00;
	[smem:$0x7FB] =	sst s24  }
0x1b: {  	s21 =	simm.s32 $0x7200;
	s22 =	simm.s32 $0x7A00;
	[smem:$0x7FC] =	sst s25  }
0x1c: {  	s23 =	simm.s32 $0x8200;
	s24 =	simm.s32 $0x1;
	[dreg:$0x10] =	wrdreg s2  }
0x1d: {  	s25 =	simm.s32 $0x10200;
	s0 =	sadd.s32 s6, s0;
	[dreg:$0x11] =	wrdreg s7  }
0x1e: {  	s4 =	sadd.s32 s4, s14;
	[dreg:$0x12] =	wrdreg s8;
	s14 =	simm.s32 $0x11200  }
0x1f: {  	s5 =	ssub.s32 s5, s26;
	s26 =	simm.s32 $0x17200;
	[dreg:$0x18] =	wrdreg s14  }
0x20: {  	s6 =	simm.s32 $0x7;
	s0 =	sadd.s32 $0x200, s0;
	[smem:$0x7FD] =	sst s26  }
0x21: {  	s7 =	simm.s32 $0x200;
	s15 =	sadd.s32 $0x1000, s4;
	[dreg:$0x4] =	wrdreg s0  }
0x22: {  	s8 =	simm.s32 $0xA00;
	s16 =	sadd.s32 $0x2000, s4;
	[dreg:$0x5] =	wrdreg s15  }
0x23: {  	s17 =	sadd.s32 $0x3000, s4;
	s5 =	smax.u32 s5, $0x1;
	[dreg:$0x6] =	wrdreg s16  }
0x24: {  	s14 =	simm.s32 $0x3A00;
	[dreg:$0x7] =	wrdreg s17;
	s15 =	simm.s32 $0x11A00  }
0x25: {  	v2 =	vlaneseq.u32;
	s16 =	simm.s32 $0x12200;
	s17 =	simm.s32 $0x12A00;
	[dreg:$0x19] =	wrdreg s15  }
0x26: {  	vm0 =	vmmov $0xffff;
	v1 =	vshrl.u32 v2, $0x3;
	s0 =	simm.s32 $0x6;
	[dreg:$0x1a] =	wrdreg s16;
	s15 =	simm.s32 $0x4200  }
0x27: {  	v0 =	vand.u32 $0x7, v2;
	v2 =	vor.u32 $0x8, v2;
	v1 =	vmul.u32 $0x8, v1;
	[dreg:$0x1b] =	wrdreg s17;
	s16 =	simm.s32 $0x4A00;
	s17 =	simm.s32 $0x5200  }
.LBB2_1:
0x28: {  	s2 =	rddreg [dreg:$0x4]  }
0x29: {  	[tilespmem:s3], [sflag:$0x7] =	stream.linear.gather [hbm4b:s2+s3], $0x200, $0x38;
	[tilespmem:$0x18200] =	vst v63  }
0x2a: {  	_ =	swait.ge [sflag:s6], $0x200  }
0x2b: {  	[sflag:s6] =	ssyncset.done $0x0  }
0x2c: {  	[sflag:s6] =	ssyncadd.s32 $0xFFFFFE00  }
0x2d: {  	v3 =	vld [tilespmem:$0x0];
	_ =	sdelay $0x4  }
0x2e: {  	v4 =	vshll.u32 v3, $0x1  }
0x2f: {  	v3 =	vand.u32 $0x7, v3;
	v4 =	vand.u32 $0xFFFFFFF0, v4  }
0x30: {  	v3 =	vor.u32 v3, v4  }
0x31: {  	v4 =	vperm.xlane v3, v0;
	_ =	sdelay $0x1  }
0x32: {  	v3 =	vperm.xlane v3, v2;
	v4 =	vadd.s32 v1, v4;
	_ =	sdelay $0x1  }
0x33: {  	v3 =	vadd.s32 v1, v3;
	_ =	sdelay $0x2  }
0x34: {  	[tilespmem:s7], [sflag:$0x1] =	stream.indirect_vreg.gather [hbm4b:s1+s3], $0x80, v4, vm0, $0xb8;
	[tilespmem:$0x18200] =	vst v63  }
0x35: {  	_ = 	snop  }
0x36: {  	[tilespmem:s8], [sflag:$0x1] =	stream.indirect_vreg.gather [hbm4b:s1+s3], $0x80, v3, vm0, $0xb8;
	[tilespmem:$0x18200] =	vst v63  }
0x37: {  	v3 =	vld [tilespmem:$0x10];
	_ =	sdelay $0x4  }
0x38: {  	v33 =	vshll.u32 v3, $0x1  }
0x39: {  	v3 =	vand.u32 $0x7, v3;
	v4 =	vand.u32 $0xFFFFFFF0, v33  }
0x3a: {  	v3 =	vor.u32 v3, v4  }
0x3b: {  	v4 =	vperm.xlane v3, v0;
	_ =	sdelay $0x1  }
0x3c: {  	v3 =	vperm.xlane v3, v2;
	v4 =	vadd.s32 v1, v4;
	_ =	sdelay $0x1  }
0x3d: {  	v3 =	vadd.s32 v1, v3;
	_ =	sdelay $0x2  }
0x3e: {  	[tilespmem:s9], [sflag:$0x1] =	stream.indirect_vreg.gather [hbm4b:s1+s3], $0x80, v4, vm0, $0xb8;
	[tilespmem:$0x18200] =	vst v63  }
0x3f: {  	_ = 	snop  }
0x40: {  	[tilespmem:s10], [sflag:$0x1] =	stream.indirect_vreg.gather [hbm4b:s1+s3], $0x80, v3, vm0, $0xb8;
	[tilespmem:$0x18200] =	vst v63  }
0x41: {  	v3 =	vld [tilespmem:$0x20];
	_ =	sdelay $0x4  }
0x42: {  	v34 =	vshll.u32 v3, $0x1  }
0x43: {  	v3 =	vand.u32 $0x7, v3;
	v4 =	vand.u32 $0xFFFFFFF0, v34  }
0x44: {  	v3 =	vor.u32 v3, v4  }
0x45: {  	v4 =	vperm.xlane v3, v0;
	_ =	sdelay $0x1  }
0x46: {  	v3 =	vperm.xlane v3, v2;
	v4 =	vadd.s32 v1, v4;
	_ =	sdelay $0x1  }
0x47: {  	v3 =	vadd.s32 v1, v3;
	_ =	sdelay $0x2  }
0x48: {  	[tilespmem:s11], [sflag:$0x1] =	stream.indirect_vreg.gather [hbm4b:s1+s3], $0x80, v4, vm0, $0xb8;
	[tilespmem:$0x18200] =	vst v63  }
0x49: {  	_ = 	snop  }
0x4a: {  	[tilespmem:s12], [sflag:$0x1] =	stream.indirect_vreg.gather [hbm4b:s1+s3], $0x80, v3, vm0, $0xb8;
	[tilespmem:$0x18200] =	vst v63  }
0x4b: {  	v3 =	vld [tilespmem:$0x30];
	_ =	sdelay $0x4  }
0x4c: {  	v35 =	vshll.u32 v3, $0x1  }
0x4d: {  	v3 =	vand.u32 $0x7, v3;
	v4 =	vand.u32 $0xFFFFFFF0, v35  }
0x4e: {  	v3 =	vor.u32 v3, v4  }
0x4f: {  	v4 =	vperm.xlane v3, v0;
	_ =	sdelay $0x1  }
0x50: {  	v3 =	vperm.xlane v3, v2;
	v4 =	vadd.s32 v1, v4;
	_ =	sdelay $0x1  }
0x51: {  	v3 =	vadd.s32 v1, v3;
	_ =	sdelay $0x2  }
0x52: {  	[tilespmem:s13], [sflag:$0x1] =	stream.indirect_vreg.gather [hbm4b:s1+s3], $0x80, v4, vm0, $0xb8;
	[tilespmem:$0x18200] =	vst v63  }
0x53: {  	_ = 	snop  }
0x54: {  	[tilespmem:s14], [sflag:$0x1] =	stream.indirect_vreg.gather [hbm4b:s1+s3], $0x80, v3, vm0, $0xb8;
	[tilespmem:$0x18200] =	vst v63  }
0x55: {  	v3 =	vld [tilespmem:$0x40];
	_ =	sdelay $0x4  }
0x56: {  	v36 =	vshll.u32 v3, $0x1  }
0x57: {  	v3 =	vand.u32 $0x7, v3;
	v4 =	vand.u32 $0xFFFFFFF0, v36  }
0x58: {  	v3 =	vor.u32 v3, v4  }
0x59: {  	v4 =	vperm.xlane v3, v0;
	_ =	sdelay $0x1  }
0x5a: {  	v3 =	vperm.xlane v3, v2;
	v4 =	vadd.s32 v1, v4;
	_ =	sdelay $0x1  }
0x5b: {  	v3 =	vadd.s32 v1, v3;
	_ =	sdelay $0x2  }
0x5c: {  	[tilespmem:s15], [sflag:$0x1] =	stream.indirect_vreg.gather [hbm4b:s1+s3], $0x80, v4, vm0, $0xb8;
	[tilespmem:$0x18200] =	vst v63  }
0x5d: {  	_ = 	snop  }
0x5e: {  	[tilespmem:s16], [sflag:$0x1] =	stream.indirect_vreg.gather [hbm4b:s1+s3], $0x80, v3, vm0, $0xb8;
	[tilespmem:$0x18200] =	vst v63  }
0x5f: {  	v3 =	vld [tilespmem:$0x50];
	_ =	sdelay $0x4  }
0x60: {  	v37 =	vshll.u32 v3, $0x1  }
0x61: {  	v3 =	vand.u32 $0x7, v3;
	v4 =	vand.u32 $0xFFFFFFF0, v37  }
0x62: {  	v3 =	vor.u32 v3, v4  }
0x63: {  	v4 =	vperm.xlane v3, v0;
	_ =	sdelay $0x1  }
0x64: {  	v3 =	vperm.xlane v3, v2;
	v4 =	vadd.s32 v1, v4;
	_ =	sdelay $0x1  }
0x65: {  	v3 =	vadd.s32 v1, v3;
	_ =	sdelay $0x2  }
0x66: {  	[tilespmem:s17], [sflag:$0x1] =	stream.indirect_vreg.gather [hbm4b:s1+s3], $0x80, v4, vm0, $0xb8;
	[tilespmem:$0x18200] =	vst v63  }
0x67: {  	_ = 	snop  }
0x68: {  	[tilespmem:s18], [sflag:$0x1] =	stream.indirect_vreg.gather [hbm4b:s1+s3], $0x80, v3, vm0, $0xb8;
	[tilespmem:$0x18200] =	vst v63  }
0x69: {  	v3 =	vld [tilespmem:$0x60];
	_ =	sdelay $0x4  }
0x6a: {  	v38 =	vshll.u32 v3, $0x1  }
0x6b: {  	v3 =	vand.u32 $0x7, v3;
	v4 =	vand.u32 $0xFFFFFFF0, v38  }
0x6c: {  	v3 =	vor.u32 v3, v4  }
0x6d: {  	v4 =	vperm.xlane v3, v0;
	_ =	sdelay $0x1  }
0x6e: {  	v3 =	vperm.xlane v3, v2;
	v4 =	vadd.s32 v1, v4;
	_ =	sdelay $0x1  }
0x6f: {  	v3 =	vadd.s32 v1, v3;
	_ =	sdelay $0x2  }
0x70: {  	[tilespmem:s19], [sflag:$0x1] =	stream.indirect_vreg.gather [hbm4b:s1+s3], $0x80, v4, vm0, $0xb8;
	[tilespmem:$0x18200] =	vst v63  }
0x71: {  	_ = 	snop  }
0x72: {  	[tilespmem:s20], [sflag:$0x1] =	stream.indirect_vreg.gather [hbm4b:s1+s3], $0x80, v3, vm0, $0xb8;
	[tilespmem:$0x18200] =	vst v63  }
0x73: {  	v3 =	vld [tilespmem:$0x70];
	_ =	sdelay $0x4  }
0x74: {  	v39 =	vshll.u32 v3, $0x1  }
0x75: {  	v3 =	vand.u32 $0x7, v3;
	v4 =	vand.u32 $0xFFFFFFF0, v39  }
0x76: {  	v3 =	vor.u32 v3, v4  }
0x77: {  	v4 =	vperm.xlane v3, v0;
	_ =	sdelay $0x1  }
0x78: {  	v3 =	vperm.xlane v3, v2;
	v4 =	vadd.s32 v1, v4;
	_ =	sdelay $0x1  }
0x79: {  	v3 =	vadd.s32 v1, v3;
	_ =	sdelay $0x2  }
0x7a: {  	[tilespmem:s21], [sflag:$0x1] =	stream.indirect_vreg.gather [hbm4b:s1+s3], $0x80, v4, vm0, $0xb8;
	[tilespmem:$0x18200] =	vst v63  }
0x7b: {  	_ = 	snop  }
0x7c: {  	[tilespmem:s22], [sflag:$0x1] =	stream.indirect_vreg.gather [hbm4b:s1+s3], $0x80, v3, vm0, $0xb8;
	[tilespmem:$0x18200] =	vst v63  }
0x7d: {  	v3 =	vld [tilespmem:$0x80];
	_ =	sdelay $0x4  }
0x7e: {  	v40 =	vshll.u32 v3, $0x1  }
0x7f: {  	v3 =	vand.u32 $0x7, v3;
	v4 =	vand.u32 $0xFFFFFFF0, v40  }
0x80: {  	v3 =	vor.u32 v3, v4  }
0x81: {  	v4 =	vperm.xlane v3, v0;
	_ =	sdelay $0x1  }
0x82: {  	v3 =	vperm.xlane v3, v2;
	v4 =	vadd.s32 v1, v4;
	_ =	sdelay $0x1  }
0x83: {  	v3 =	vadd.s32 v1, v3;
	_ =	sdelay $0x2  }
0x84: {  	[tilespmem:s23], [sflag:$0x2] =	stream.indirect_vreg.gather [hbm4b:s1+s3], $0x80, v4, vm0, $0xb8;
	[tilespmem:$0x18200] =	vst v63  }
0x85: {  	s26 =	rddreg [dreg:$0x8]  }
0x86: {  	[tilespmem:s26], [sflag:$0x2] =	stream.indirect_vreg.gather [hbm4b:s1+s3], $0x80, v3, vm0, $0xb8;
	[tilespmem:$0x18200] =	vst v63  }
0x87: {  	v3 =	vld [tilespmem:$0x90];
	_ =	sdelay $0x4  }
0x88: {  	v41 =	vshll.u32 v3, $0x1  }
0x89: {  	v3 =	vand.u32 $0x7, v3;
	v4 =	vand.u32 $0xFFFFFFF0, v41  }
0x8a: {  	v3 =	vor.u32 v3, v4  }
0x8b: {  	v4 =	vperm.xlane v3, v0;
	_ =	sdelay $0x1  }
0x8c: {  	v3 =	vperm.xlane v3, v2;
	v4 =	vadd.s32 v1, v4;
	_ =	sdelay $0x1  }
0x8d: {  	v3 =	vadd.s32 v1, v3;
	_ =	sdelay $0x1  }
0x8e: {  	s2 =	rddreg [dreg:$0x9]  }
0x8f: {  	[tilespmem:s2], [sflag:$0x2] =	stream.indirect_vreg.gather [hbm4b:s1+s3], $0x80, v4, vm0, $0xb8;
	[tilespmem:$0x18200] =	vst v63  }
0x90: {  	s26 =	rddreg [dreg:$0xa]  }
0x91: {  	[tilespmem:s26], [sflag:$0x2] =	stream.indirect_vreg.gather [hbm4b:s1+s3], $0x80, v3, vm0, $0xb8;
	[tilespmem:$0x18200] =	vst v63  }
0x92: {  	v3 =	vld [tilespmem:$0xA0];
	_ =	sdelay $0x4  }
0x93: {  	v42 =	vshll.u32 v3, $0x1  }
0x94: {  	v3 =	vand.u32 $0x7, v3;
	v4 =	vand.u32 $0xFFFFFFF0, v42  }
0x95: {  	v3 =	vor.u32 v3, v4  }
0x96: {  	v4 =	vperm.xlane v3, v0;
	_ =	sdelay $0x1  }
0x97: {  	v3 =	vperm.xlane v3, v2;
	v4 =	vadd.s32 v1, v4;
	_ =	sdelay $0x1  }
0x98: {  	v3 =	vadd.s32 v1, v3;
	_ =	sdelay $0x1  }
0x99: {  	s2 =	rddreg [dreg:$0xb]  }
0x9a: {  	[tilespmem:s2], [sflag:$0x2] =	stream.indirect_vreg.gather [hbm4b:s1+s3], $0x80, v4, vm0, $0xb8;
	[tilespmem:$0x18200] =	vst v63  }
0x9b: {  	s26 =	rddreg [dreg:$0xc]  }
0x9c: {  	[tilespmem:s26], [sflag:$0x2] =	stream.indirect_vreg.gather [hbm4b:s1+s3], $0x80, v3, vm0, $0xb8;
	[tilespmem:$0x18200] =	vst v63  }
0x9d: {  	v3 =	vld [tilespmem:$0xB0];
	_ =	sdelay $0x4  }
0x9e: {  	v43 =	vshll.u32 v3, $0x1  }
0x9f: {  	v3 =	vand.u32 $0x7, v3;
	v4 =	vand.u32 $0xFFFFFFF0, v43  }
0xa0: {  	v3 =	vor.u32 v3, v4  }
0xa1: {  	v4 =	vperm.xlane v3, v0;
	_ =	sdelay $0x1  }
0xa2: {  	v3 =	vperm.xlane v3, v2;
	v4 =	vadd.s32 v1, v4;
	_ =	sdelay $0x1  }
0xa3: {  	v3 =	vadd.s32 v1, v3;
	_ =	sdelay $0x1  }
0xa4: {  	s2 =	rddreg [dreg:$0xd]  }
0xa5: {  	[tilespmem:s2], [sflag:$0x2] =	stream.indirect_vreg.gather [hbm4b:s1+s3], $0x80, v4, vm0, $0xb8;
	[tilespmem:$0x18200] =	vst v63  }
0xa6: {  	s26 =	rddreg [dreg:$0xe]  }
0xa7: {  	[tilespmem:s26], [sflag:$0x2] =	stream.indirect_vreg.gather [hbm4b:s1+s3], $0x80, v3, vm0, $0xb8;
	[tilespmem:$0x18200] =	vst v63  }
0xa8: {  	v3 =	vld [tilespmem:$0xC0];
	_ =	sdelay $0x4  }
0xa9: {  	v44 =	vshll.u32 v3, $0x1  }
0xaa: {  	v3 =	vand.u32 $0x7, v3;
	v4 =	vand.u32 $0xFFFFFFF0, v44  }
0xab: {  	v3 =	vor.u32 v3, v4  }
0xac: {  	v4 =	vperm.xlane v3, v0;
	_ =	sdelay $0x1  }
0xad: {  	v3 =	vperm.xlane v3, v2;
	v4 =	vadd.s32 v1, v4;
	_ =	sdelay $0x1  }
0xae: {  	v3 =	vadd.s32 v1, v3;
	_ =	sdelay $0x1  }
0xaf: {  	s2 =	rddreg [dreg:$0xf]  }
0xb0: {  	[tilespmem:s2], [sflag:$0x2] =	stream.indirect_vreg.gather [hbm4b:s1+s3], $0x80, v4, vm0, $0xb8;
	[tilespmem:$0x18200] =	vst v63  }
0xb1: {  	s26 =	rddreg [dreg:$0x10]  }
0xb2: {  	[tilespmem:s26], [sflag:$0x2] =	stream.indirect_vreg.gather [hbm4b:s1+s3], $0x80, v3, vm0, $0xb8;
	[tilespmem:$0x18200] =	vst v63  }
0xb3: {  	v3 =	vld [tilespmem:$0xD0];
	_ =	sdelay $0x4  }
0xb4: {  	v45 =	vshll.u32 v3, $0x1  }
0xb5: {  	v3 =	vand.u32 $0x7, v3;
	v4 =	vand.u32 $0xFFFFFFF0, v45  }
0xb6: {  	v3 =	vor.u32 v3, v4  }
0xb7: {  	v4 =	vperm.xlane v3, v0;
	_ =	sdelay $0x1  }
0xb8: {  	v3 =	vperm.xlane v3, v2;
	v4 =	vadd.s32 v1, v4;
	_ =	sdelay $0x1  }
0xb9: {  	v3 =	vadd.s32 v1, v3;
	_ =	sdelay $0x1  }
0xba: {  	s2 =	rddreg [dreg:$0x11]  }
0xbb: {  	[tilespmem:s2], [sflag:$0x2] =	stream.indirect_vreg.gather [hbm4b:s1+s3], $0x80, v4, vm0, $0xb8;
	[tilespmem:$0x18200] =	vst v63  }
0xbc: {  	s26 =	rddreg [dreg:$0x12]  }
0xbd: {  	[tilespmem:s26], [sflag:$0x2] =	stream.indirect_vreg.gather [hbm4b:s1+s3], $0x80, v3, vm0, $0xb8;
	[tilespmem:$0x18200] =	vst v63  }
0xbe: {  	v3 =	vld [tilespmem:$0xE0];
	_ =	sdelay $0x4  }
0xbf: {  	v46 =	vshll.u32 v3, $0x1  }
0xc0: {  	v3 =	vand.u32 $0x7, v3;
	v4 =	vand.u32 $0xFFFFFFF0, v46  }
0xc1: {  	v3 =	vor.u32 v3, v4  }
0xc2: {  	v4 =	vperm.xlane v3, v0;
	_ =	sdelay $0x1  }
0xc3: {  	v3 =	vperm.xlane v3, v2;
	v4 =	vadd.s32 v1, v4;
	_ =	sdelay $0x1  }
0xc4: {  	v3 =	vadd.s32 v1, v3;
	_ =	sdelay $0x1  }
0xc5: {  	s2 =	rddreg [dreg:$0x13]  }
0xc6: {  	[tilespmem:s2], [sflag:$0x2] =	stream.indirect_vreg.gather [hbm4b:s1+s3], $0x80, v4, vm0, $0xb8;
	[tilespmem:$0x18200] =	vst v63  }
0xc7: {  	s26 =	rddreg [dreg:$0x14]  }
0xc8: {  	[tilespmem:s26], [sflag:$0x2] =	stream.indirect_vreg.gather [hbm4b:s1+s3], $0x80, v3, vm0, $0xb8;
	[tilespmem:$0x18200] =	vst v63  }
0xc9: {  	v3 =	vld [tilespmem:$0xF0];
	_ =	sdelay $0x4  }
0xca: {  	v47 =	vshll.u32 v3, $0x1  }
0xcb: {  	v3 =	vand.u32 $0x7, v3;
	v4 =	vand.u32 $0xFFFFFFF0, v47  }
0xcc: {  	v3 =	vor.u32 v3, v4  }
0xcd: {  	v4 =	vperm.xlane v3, v0;
	_ =	sdelay $0x1  }
0xce: {  	v3 =	vperm.xlane v3, v2;
	v4 =	vadd.s32 v1, v4;
	_ =	sdelay $0x1  }
0xcf: {  	v3 =	vadd.s32 v1, v3;
	_ =	sdelay $0x1  }
0xd0: {  	s2 =	rddreg [dreg:$0x15]  }
0xd1: {  	[tilespmem:s2], [sflag:$0x2] =	stream.indirect_vreg.gather [hbm4b:s1+s3], $0x80, v4, vm0, $0xb8;
	[tilespmem:$0x18200] =	vst v63  }
0xd2: {  	s26 =	rddreg [dreg:$0x16]  }
0xd3: {  	[tilespmem:s26], [sflag:$0x2] =	stream.indirect_vreg.gather [hbm4b:s1+s3], $0x80, v3, vm0, $0xb8;
	[tilespmem:$0x18200] =	vst v63  }
0xd4: {  	_ =	swait.ge [sflag:s24], $0x8000  }
0xd5: {  	[sflag:s24] =	ssyncset.done $0x0  }
0xd6: {  	[sflag:s24] =	ssyncadd.s32 $0xFFFF8000  }
0xd7: {  	[hbm4b:s4+s3] =	stream.linear.scatter [tilespmem:s7], [sflag:$0x4], $0x8000, $0x38;
	[tilespmem:$0x18200] =	vst v63  }
0xd8: {  	v3 =	vld [tilespmem:$0x100];
	_ =	sdelay $0x4  }
0xd9: {  	v48 =	vshll.u32 v3, $0x1  }
0xda: {  	v3 =	vand.u32 $0x7, v3;
	v4 =	vand.u32 $0xFFFFFFF0, v48  }
0xdb: {  	v3 =	vor.u32 v3, v4  }
0xdc: {  	v4 =	vperm.xlane v3, v0;
	_ =	sdelay $0x1  }
0xdd: {  	v3 =	vperm.xlane v3, v2;
	v4 =	vadd.s32 v1, v4;
	_ =	sdelay $0x1  }
0xde: {  	v3 =	vadd.s32 v1, v3;
	_ =	sdelay $0x2  }
0xdf: {  	[tilespmem:s25], [sflag:$0x3] =	stream.indirect_vreg.gather [hbm4b:s1+s3], $0x80, v4, vm0, $0xb8;
	[tilespmem:$0x18200] =	vst v63  }
0xe0: {  	s26 =	rddreg [dreg:$0x17]  }
0xe1: {  	[tilespmem:s26], [sflag:$0x3] =	stream.indirect_vreg.gather [hbm4b:s1+s3], $0x80, v3, vm0, $0xb8;
	[tilespmem:$0x18200] =	vst v63  }
0xe2: {  	v3 =	vld [tilespmem:$0x110];
	_ =	sdelay $0x4  }
0xe3: {  	v49 =	vshll.u32 v3, $0x1  }
0xe4: {  	v3 =	vand.u32 $0x7, v3;
	v4 =	vand.u32 $0xFFFFFFF0, v49  }
0xe5: {  	v3 =	vor.u32 v3, v4  }
0xe6: {  	v4 =	vperm.xlane v3, v0;
	_ =	sdelay $0x1  }
0xe7: {  	v3 =	vperm.xlane v3, v2;
	v4 =	vadd.s32 v1, v4;
	_ =	sdelay $0x1  }
0xe8: {  	v3 =	vadd.s32 v1, v3;
	_ =	sdelay $0x1  }
0xe9: {  	s2 =	rddreg [dreg:$0x18]  }
0xea: {  	[tilespmem:s2], [sflag:$0x3] =	stream.indirect_vreg.gather [hbm4b:s1+s3], $0x80, v4, vm0, $0xb8;
	[tilespmem:$0x18200] =	vst v63  }
0xeb: {  	s26 =	rddreg [dreg:$0x19]  }
0xec: {  	[tilespmem:s26], [sflag:$0x3] =	stream.indirect_vreg.gather [hbm4b:s1+s3], $0x80, v3, vm0, $0xb8;
	[tilespmem:$0x18200] =	vst v63  }
0xed: {  	v3 =	vld [tilespmem:$0x120];
	_ =	sdelay $0x4  }
0xee: {  	v50 =	vshll.u32 v3, $0x1  }
0xef: {  	v3 =	vand.u32 $0x7, v3;
	v4 =	vand.u32 $0xFFFFFFF0, v50  }
0xf0: {  	v3 =	vor.u32 v3, v4  }
0xf1: {  	v4 =	vperm.xlane v3, v0;
	_ =	sdelay $0x1  }
0xf2: {  	v3 =	vperm.xlane v3, v2;
	v4 =	vadd.s32 v1, v4;
	_ =	sdelay $0x1  }
0xf3: {  	v3 =	vadd.s32 v1, v3;
	_ =	sdelay $0x1  }
0xf4: {  	s2 =	rddreg [dreg:$0x1a]  }
0xf5: {  	[tilespmem:s2], [sflag:$0x3] =	stream.indirect_vreg.gather [hbm4b:s1+s3], $0x80, v4, vm0, $0xb8;
	[tilespmem:$0x18200] =	vst v63  }
0xf6: {  	s26 =	rddreg [dreg:$0x1b]  }
0xf7: {  	[tilespmem:s26], [sflag:$0x3] =	stream.indirect_vreg.gather [hbm4b:s1+s3], $0x80, v3, vm0, $0xb8;
	[tilespmem:$0x18200] =	vst v63  }
0xf8: {  	v3 =	vld [tilespmem:$0x130];
	_ =	sdelay $0x4  }
0xf9: {  	v51 =	vshll.u32 v3, $0x1  }
0xfa: {  	v3 =	vand.u32 $0x7, v3;
	v4 =	vand.u32 $0xFFFFFFF0, v51  }
0xfb: {  	v3 =	vor.u32 v3, v4  }
0xfc: {  	v4 =	vperm.xlane v3, v0;
	_ =	sdelay $0x1  }
0xfd: {  	v3 =	vperm.xlane v3, v2;
	v4 =	vadd.s32 v1, v4;
	_ =	sdelay $0x1  }
0xfe: {  	v3 =	vadd.s32 v1, v3;
	_ =	sdelay $0x1  }
0xff: {  	s2 =	rddreg [dreg:$0x1c]  }
0x100: {  	[tilespmem:s2], [sflag:$0x3] =	stream.indirect_vreg.gather [hbm4b:s1+s3], $0x80, v4, vm0, $0xb8;
	[tilespmem:$0x18200] =	vst v63  }
0x101: {  	s26 =	rddreg [dreg:$0x1d]  }
0x102: {  	[tilespmem:s26], [sflag:$0x3] =	stream.indirect_vreg.gather [hbm4b:s1+s3], $0x80, v3, vm0, $0xb8;
	[tilespmem:$0x18200] =	vst v63  }
0x103: {  	v3 =	vld [tilespmem:$0x140];
	_ =	sdelay $0x4  }
0x104: {  	v52 =	vshll.u32 v3, $0x1  }
0x105: {  	v3 =	vand.u32 $0x7, v3;
	v4 =	vand.u32 $0xFFFFFFF0, v52  }
0x106: {  	v3 =	vor.u32 v3, v4  }
0x107: {  	v4 =	vperm.xlane v3, v0;
	_ =	sdelay $0x1  }
0x108: {  	v3 =	vperm.xlane v3, v2;
	v4 =	vadd.s32 v1, v4;
	_ =	sdelay $0x1  }
0x109: {  	v3 =	vadd.s32 v1, v3;
	_ =	sdelay $0x1  }
0x10a: {  	s2 =	rddreg [dreg:$0x1e]  }
0x10b: {  	[tilespmem:s2], [sflag:$0x3] =	stream.indirect_vreg.gather [hbm4b:s1+s3], $0x80, v4, vm0, $0xb8;
	[tilespmem:$0x18200] =	vst v63  }
0x10c: {  	s26 =	rddreg [dreg:$0x1f]  }
0x10d: {  	[tilespmem:s26], [sflag:$0x3] =	stream.indirect_vreg.gather [hbm4b:s1+s3], $0x80, v3, vm0, $0xb8;
	[tilespmem:$0x18200] =	vst v63  }
0x10e: {  	v3 =	vld [tilespmem:$0x150];
	_ =	sdelay $0x4  }
0x10f: {  	v53 =	vshll.u32 v3, $0x1  }
0x110: {  	v3 =	vand.u32 $0x7, v3;
	v4 =	vand.u32 $0xFFFFFFF0, v53  }
0x111: {  	v3 =	vor.u32 v3, v4  }
0x112: {  	v4 =	vperm.xlane v3, v0;
	_ =	sdelay $0x1  }
0x113: {  	v3 =	vperm.xlane v3, v2;
	v4 =	vadd.s32 v1, v4;
	_ =	sdelay $0x1  }
0x114: {  	s2 =	sld [smem:$0x7F9];
	v3 =	vadd.s32 v1, v3;
	_ =	sdelay $0x1  }
0x115: {  	s26 =	sld [smem:$0x7FA]  }
0x116: {  	[tilespmem:s2], [sflag:$0x3] =	stream.indirect_vreg.gather [hbm4b:s1+s3], $0x80, v4, vm0, $0xb8;
	[tilespmem:$0x18200] =	vst v63  }
0x117: {  	_ = 	snop  }
0x118: {  	[tilespmem:s26], [sflag:$0x3] =	stream.indirect_vreg.gather [hbm4b:s1+s3], $0x80, v3, vm0, $0xb8;
	[tilespmem:$0x18200] =	vst v63  }
0x119: {  	v3 =	vld [tilespmem:$0x160];
	_ =	sdelay $0x4  }
0x11a: {  	v54 =	vshll.u32 v3, $0x1  }
0x11b: {  	v3 =	vand.u32 $0x7, v3;
	v4 =	vand.u32 $0xFFFFFFF0, v54  }
0x11c: {  	v3 =	vor.u32 v3, v4  }
0x11d: {  	v4 =	vperm.xlane v3, v0;
	_ =	sdelay $0x1  }
0x11e: {  	v3 =	vperm.xlane v3, v2;
	v4 =	vadd.s32 v1, v4;
	_ =	sdelay $0x1  }
0x11f: {  	s2 =	sld [smem:$0x7FB];
	v3 =	vadd.s32 v1, v3;
	_ =	sdelay $0x1  }
0x120: {  	s26 =	sld [smem:$0x7FC]  }
0x121: {  	[tilespmem:s2], [sflag:$0x3] =	stream.indirect_vreg.gather [hbm4b:s1+s3], $0x80, v4, vm0, $0xb8;
	[tilespmem:$0x18200] =	vst v63  }
0x122: {  	_ = 	snop  }
0x123: {  	[tilespmem:s26], [sflag:$0x3] =	stream.indirect_vreg.gather [hbm4b:s1+s3], $0x80, v3, vm0, $0xb8;
	[tilespmem:$0x18200] =	vst v63  }
0x124: {  	v3 =	vld [tilespmem:$0x170];
	_ =	sdelay $0x4  }
0x125: {  	v55 =	vshll.u32 v3, $0x1  }
0x126: {  	v3 =	vand.u32 $0x7, v3;
	v4 =	vand.u32 $0xFFFFFFF0, v55  }
0x127: {  	v3 =	vor.u32 v3, v4  }
0x128: {  	v4 =	vperm.xlane v3, v0;
	_ =	sdelay $0x1  }
0x129: {  	v3 =	vperm.xlane v3, v2;
	v4 =	vadd.s32 v1, v4;
	_ =	sdelay $0x1  }
0x12a: {  	s26 =	sld [smem:$0x7FD];
	v3 =	vadd.s32 v1, v3;
	_ =	sdelay $0x2  }
0x12b: {  	[tilespmem:s26], [sflag:$0x3] =	stream.indirect_vreg.gather [hbm4b:s1+s3], $0x80, v4, vm0, $0xb8;
	[tilespmem:$0x18200] =	vst v63  }
0x12c: {  	s26 =	simm.s32 $0x17A00  }
0x12d: {  	[tilespmem:s26], [sflag:$0x3] =	stream.indirect_vreg.gather [hbm4b:s1+s3], $0x80, v3, vm0, $0xb8;
	[tilespmem:$0x18200] =	vst v63  }
0x12e: {  	_ =	swait.ge [sflag:s28], $0x8000  }
0x12f: {  	[sflag:s28] =	ssyncset.done $0x0  }
0x130: {  	s26 =	rddreg [dreg:$0x5];
	[sflag:s28] =	ssyncadd.s32 $0xFFFF8000  }
0x131: {  	[hbm4b:s26+s3] =	stream.linear.scatter [tilespmem:s23], [sflag:$0x5], $0x8000, $0x38;
	[tilespmem:$0x18200] =	vst v63  }
0x132: {  	_ =	swait.ge [sflag:s29], $0x8000  }
0x133: {  	[sflag:s29] =	ssyncset.done $0x0  }
0x134: {  	[sflag:s29] =	ssyncadd.s32 $0xFFFF8000  }
0x135: {  	v3 =	vld [tilespmem:$0x180];
	_ =	sdelay $0x4  }
0x136: {  	v56 =	vshll.u32 v3, $0x1  }
0x137: {  	v3 =	vand.u32 $0x7, v3;
	v4 =	vand.u32 $0xFFFFFFF0, v56  }
0x138: {  	v3 =	vor.u32 v3, v4  }
0x139: {  	v4 =	vperm.xlane v3, v0;
	_ =	sdelay $0x1  }
0x13a: {  	v3 =	vperm.xlane v3, v2;
	v4 =	vadd.s32 v1, v4;
	_ =	sdelay $0x1  }
0x13b: {  	v3 =	vadd.s32 v1, v3;
	_ =	sdelay $0x2  }
0x13c: {  	[tilespmem:s7], [sflag:$0x1] =	stream.indirect_vreg.gather [hbm4b:s1+s3], $0x80, v4, vm0, $0xb8;
	[tilespmem:$0x18200] =	vst v63  }
0x13d: {  	_ = 	snop  }
0x13e: {  	[tilespmem:s8], [sflag:$0x1] =	stream.indirect_vreg.gather [hbm4b:s1+s3], $0x80, v3, vm0, $0xb8;
	[tilespmem:$0x18200] =	vst v63  }
0x13f: {  	v3 =	vld [tilespmem:$0x190];
	_ =	sdelay $0x4  }
0x140: {  	v57 =	vshll.u32 v3, $0x1  }
0x141: {  	v3 =	vand.u32 $0x7, v3;
	v4 =	vand.u32 $0xFFFFFFF0, v57  }
0x142: {  	v3 =	vor.u32 v3, v4  }
0x143: {  	v4 =	vperm.xlane v3, v0;
	_ =	sdelay $0x1  }
0x144: {  	v3 =	vperm.xlane v3, v2;
	v4 =	vadd.s32 v1, v4;
	_ =	sdelay $0x1  }
0x145: {  	v3 =	vadd.s32 v1, v3;
	_ =	sdelay $0x2  }
0x146: {  	[tilespmem:s9], [sflag:$0x1] =	stream.indirect_vreg.gather [hbm4b:s1+s3], $0x80, v4, vm0, $0xb8;
	[tilespmem:$0x18200] =	vst v63  }
0x147: {  	_ = 	snop  }
0x148: {  	[tilespmem:s10], [sflag:$0x1] =	stream.indirect_vreg.gather [hbm4b:s1+s3], $0x80, v3, vm0, $0xb8;
	[tilespmem:$0x18200] =	vst v63  }
0x149: {  	v3 =	vld [tilespmem:$0x1A0];
	_ =	sdelay $0x4  }
0x14a: {  	v58 =	vshll.u32 v3, $0x1  }
0x14b: {  	v3 =	vand.u32 $0x7, v3;
	v4 =	vand.u32 $0xFFFFFFF0, v58  }
0x14c: {  	v3 =	vor.u32 v3, v4  }
0x14d: {  	v4 =	vperm.xlane v3, v0;
	_ =	sdelay $0x1  }
0x14e: {  	v3 =	vperm.xlane v3, v2;
	v4 =	vadd.s32 v1, v4;
	_ =	sdelay $0x1  }
0x14f: {  	v3 =	vadd.s32 v1, v3;
	_ =	sdelay $0x2  }
0x150: {  	[tilespmem:s11], [sflag:$0x1] =	stream.indirect_vreg.gather [hbm4b:s1+s3], $0x80, v4, vm0, $0xb8;
	[tilespmem:$0x18200] =	vst v63  }
0x151: {  	_ = 	snop  }
0x152: {  	[tilespmem:s12], [sflag:$0x1] =	stream.indirect_vreg.gather [hbm4b:s1+s3], $0x80, v3, vm0, $0xb8;
	[tilespmem:$0x18200] =	vst v63  }
0x153: {  	v3 =	vld [tilespmem:$0x1B0];
	_ =	sdelay $0x4  }
0x154: {  	v59 =	vshll.u32 v3, $0x1  }
0x155: {  	v3 =	vand.u32 $0x7, v3;
	v4 =	vand.u32 $0xFFFFFFF0, v59  }
0x156: {  	v3 =	vor.u32 v3, v4  }
0x157: {  	v4 =	vperm.xlane v3, v0;
	_ =	sdelay $0x1  }
0x158: {  	v3 =	vperm.xlane v3, v2;
	v4 =	vadd.s32 v1, v4;
	_ =	sdelay $0x1  }
0x159: {  	v3 =	vadd.s32 v1, v3;
	_ =	sdelay $0x2  }
0x15a: {  	[tilespmem:s13], [sflag:$0x1] =	stream.indirect_vreg.gather [hbm4b:s1+s3], $0x80, v4, vm0, $0xb8;
	[tilespmem:$0x18200] =	vst v63  }
0x15b: {  	_ = 	snop  }
0x15c: {  	[tilespmem:s14], [sflag:$0x1] =	stream.indirect_vreg.gather [hbm4b:s1+s3], $0x80, v3, vm0, $0xb8;
	[tilespmem:$0x18200] =	vst v63  }
0x15d: {  	v3 =	vld [tilespmem:$0x1C0];
	_ =	sdelay $0x4  }
0x15e: {  	v60 =	vshll.u32 v3, $0x1  }
0x15f: {  	v3 =	vand.u32 $0x7, v3;
	v4 =	vand.u32 $0xFFFFFFF0, v60  }
0x160: {  	v3 =	vor.u32 v3, v4  }
0x161: {  	v4 =	vperm.xlane v3, v0;
	_ =	sdelay $0x1  }
0x162: {  	v3 =	vperm.xlane v3, v2;
	v4 =	vadd.s32 v1, v4;
	_ =	sdelay $0x1  }
0x163: {  	v3 =	vadd.s32 v1, v3;
	_ =	sdelay $0x2  }
0x164: {  	[tilespmem:s15], [sflag:$0x1] =	stream.indirect_vreg.gather [hbm4b:s1+s3], $0x80, v4, vm0, $0xb8;
	[tilespmem:$0x18200] =	vst v63  }
0x165: {  	_ = 	snop  }
0x166: {  	[tilespmem:s16], [sflag:$0x1] =	stream.indirect_vreg.gather [hbm4b:s1+s3], $0x80, v3, vm0, $0xb8;
	[tilespmem:$0x18200] =	vst v63  }
0x167: {  	v3 =	vld [tilespmem:$0x1D0];
	_ =	sdelay $0x4  }
0x168: {  	v61 =	vshll.u32 v3, $0x1  }
0x169: {  	v3 =	vand.u32 $0x7, v3;
	v4 =	vand.u32 $0xFFFFFFF0, v61  }
0x16a: {  	v3 =	vor.u32 v3, v4  }
0x16b: {  	v4 =	vperm.xlane v3, v0;
	_ =	sdelay $0x1  }
0x16c: {  	v3 =	vperm.xlane v3, v2;
	v4 =	vadd.s32 v1, v4;
	_ =	sdelay $0x1  }
0x16d: {  	v3 =	vadd.s32 v1, v3;
	_ =	sdelay $0x2  }
0x16e: {  	[tilespmem:s17], [sflag:$0x1] =	stream.indirect_vreg.gather [hbm4b:s1+s3], $0x80, v4, vm0, $0xb8;
	[tilespmem:$0x18200] =	vst v63  }
0x16f: {  	_ = 	snop  }
0x170: {  	[tilespmem:s18], [sflag:$0x1] =	stream.indirect_vreg.gather [hbm4b:s1+s3], $0x80, v3, vm0, $0xb8;
	[tilespmem:$0x18200] =	vst v63  }
0x171: {  	v3 =	vld [tilespmem:$0x1E0];
	_ =	sdelay $0x4  }
0x172: {  	v62 =	vshll.u32 v3, $0x1  }
0x173: {  	v3 =	vand.u32 $0x7, v3;
	v4 =	vand.u32 $0xFFFFFFF0, v62  }
0x174: {  	v3 =	vor.u32 v3, v4  }
0x175: {  	v4 =	vperm.xlane v3, v0;
	_ =	sdelay $0x1  }
0x176: {  	v3 =	vperm.xlane v3, v2;
	v4 =	vadd.s32 v1, v4;
	_ =	sdelay $0x1  }
0x177: {  	v3 =	vadd.s32 v1, v3;
	_ =	sdelay $0x2  }
0x178: {  	[tilespmem:s19], [sflag:$0x1] =	stream.indirect_vreg.gather [hbm4b:s1+s3], $0x80, v4, vm0, $0xb8;
	[tilespmem:$0x18200] =	vst v63  }
0x179: {  	_ = 	snop  }
0x17a: {  	[tilespmem:s20], [sflag:$0x1] =	stream.indirect_vreg.gather [hbm4b:s1+s3], $0x80, v3, vm0, $0xb8;
	[tilespmem:$0x18200] =	vst v63  }
0x17b: {  	v3 =	vld [tilespmem:$0x1F0];
	_ =	sdelay $0x4  }
0x17c: {  	v63 =	vshll.u32 v3, $0x1  }
0x17d: {  	v3 =	vand.u32 $0x7, v3;
	v4 =	vand.u32 $0xFFFFFFF0, v63  }
0x17e: {  	v3 =	vor.u32 v3, v4  }
0x17f: {  	v4 =	vperm.xlane v3, v0;
	_ =	sdelay $0x1  }
0x180: {  	v3 =	vperm.xlane v3, v2;
	v4 =	vadd.s32 v1, v4;
	_ =	sdelay $0x1  }
0x181: {  	v3 =	vadd.s32 v1, v3;
	_ =	sdelay $0x2  }
0x182: {  	[tilespmem:s21], [sflag:$0x1] =	stream.indirect_vreg.gather [hbm4b:s1+s3], $0x80, v4, vm0, $0xb8;
	[tilespmem:$0x18200] =	vst v63  }
0x183: {  	_ = 	snop  }
0x184: {  	[tilespmem:s22], [sflag:$0x1] =	stream.indirect_vreg.gather [hbm4b:s1+s3], $0x80, v3, vm0, $0xb8;
	[tilespmem:$0x18200] =	vst v63  }
0x185: {  	_ =	swait.ge [sflag:s30], $0x8000  }
0x186: {  	[sflag:s30] =	ssyncset.done $0x0  }
0x187: {  	s26 =	rddreg [dreg:$0x6];
	[sflag:s30] =	ssyncadd.s32 $0xFFFF8000  }
0x188: {  	[hbm4b:s26+s3] =	stream.linear.scatter [tilespmem:s25], [sflag:$0x6], $0x8000, $0x38;
	[tilespmem:$0x18200] =	vst v63  }
0x189: {  	_ =	swait.ge [sflag:s24], $0x8000  }
0x18a: {  	[sflag:s24] =	ssyncset.done $0x0  }
0x18b: {  	s26 =	rddreg [dreg:$0x7];
	[sflag:s24] =	ssyncadd.s32 $0xFFFF8000  }
0x18c: {  	[hbm4b:s26+s3] =	stream.linear.scatter [tilespmem:s7], [sflag:$0x4], $0x8000, $0x38;
	[tilespmem:$0x18200] =	vst v63  }
0x18d: {  	_ =	swait.ge [sflag:s31], $0x8000  }
0x18e: {  	[sflag:s31] =	ssyncset.done $0x0  }
0x18f: {  	[sflag:s31] =	ssyncadd.s32 $0xFFFF8000  }
0x190: {  	p0 =	sne.s32 s5, $0x1;
	_ =	swait.ge [sflag:s0], $0x8000  }
.Ltmp0:
0x191: {  	[sflag:s0] =	ssyncset.done $0x0;
	(pc) =	sbr.rel @p0 .LBB2_1-.Ltmp0, $4  }
0x192: {  	[sflag:s0] =	ssyncadd.s32 $0xFFFF8000  }
0x193: {  	_ =	swait.ge [sflag:s29], $0x8000  }
0x194: {  	[sflag:s29] =	ssyncset.done $0x0  }
0x195: {  	s5 =	sadd.s32 $0xFFFFFFFF, s5;
	[sflag:s29] =	ssyncadd.s32 $0xFFFF8000  }
0x196: {  	_ =	sfence.sel $0x180000  }
0x197: {  	[bflag:$0x0] =	sbarrier.arrive $0xFFFF  }
0x198: {  	_ =	strace $0x90000047  }
0x199: {  	s0 =	stileid.u32;
	[bflag:$0x2] =	sbarrier.arrive $0xFFFF  }
0x19a: {  	p0 =	sne.s32 s0, $0x0;
	s0 =	rddreg [dreg:$0x3]  }
0x19b: {  	s0 =	sadd.s32 @!p0 $0x100000, s0  }
0x19c: {  	[sflag:s0] =	ssyncadd.tile.s32 @!p0 $0x1;
	_ =	shalt  }
.Lfunc_end2:
_tile_overlayer_lowered:
.L_overlay_start_2:
0x19d: {  	(tag) =	ssettag $0x2  }
0x19e: {  	s0 =	rddreg [dreg:$0x0];
	s2 =	stileid.u32  }
0x19f: {  	s1 =	rddreg [dreg:$0x1];
	p0 =	sne.s32 s2, $0x0  }
0x1a0: {  	s3 =	rddreg [dreg:$0x2];
	[bflag:$0x3] =	sbarrier.arrive $0xFFFF;
	s2 =	simm.s32 @!p0 $0x1C07  }
0x1a1: {  	[timem:s3], [sflag:s2] =	dma.local @!p0 [hbm:s0], s1  }
0x1a2: {  	s0 =	simm.s32 @!p0 $0x7  }
0x1a3: {  	_ =	swait.ge @!p0 [sflag:s0], s1  }
0x1a4: {  	s1 =	ssub.s32 @!p0 $0x0, s1;
	[sflag:s0] =	ssyncset.done @!p0 $0x0  }
0x1a5: {  	[sflag:s0] =	ssyncadd.s32 @!p0 s1  }
0x1a6: {  	[bflag:$0x3] =	sbarrier.arrive $0xFFFF  }
0x1a7: {  	_ =	shalt  }

</sc_bundles>
